<compile_context>
chip_gen: v7x
topology: tpu7x:2x2x1
jax: 0.10.2.dev20260603
libtpu: 0.0.44.dev20260713+nightly
codegen_flags: <defaults>
</compile_context>

<pallas_src>
import functools

import jax
import jax.numpy as jnp
from jax import lax
from jax.experimental import pallas as pl
from jax.experimental.pallas import tpu as pltpu
from jax.experimental.pallas import tpu_sc as plsc

_B, _M, _N, _D = 16, 8192, 8192, 256
_L = 16
_BM = 8192


def _splat(v):
    return jnp.full((_L,), v)


def _sc_proj_body(pts_hbm, idx_hbm, ishape_hbm, w_hbm, g_hbm,
                  idx_v, ishape_v, prow_v, w_v, g_v):
    wid = lax.axis_index("s") * 2 + lax.axis_index("c")

    @pl.when(wid < _B)
    def _():
        b = wid
        pltpu.sync_copy(idx_hbm, idx_v)
        pltpu.sync_copy(ishape_hbm, ishape_v)
        pltpu.sync_copy(w_hbm, w_v)

        lanes = lax.iota(jnp.int32, _L)
        idx_b = lax.reduce_max(plsc.load_gather(idx_v, [_splat(b)]), axes=(0,))

        off5 = (b * _N + idx_b) * 5
        base = jnp.minimum((off5 // 8) * 8, _B * _N * 5 - 32)
        r = off5 - base
        pltpu.sync_copy(pts_hbm.at[pl.ds(base, 32)], prow_v)

        x = plsc.load_gather(prow_v, [_splat(r)])
        y = plsc.load_gather(prow_v, [_splat(r + 1)])
        ln = plsc.load_gather(prow_v, [_splat(r + 3)])
        an = plsc.load_gather(prow_v, [_splat(r + 4)])

        hf = plsc.load_gather(ishape_v, [_splat(2)]).astype(jnp.float32)
        wf = plsc.load_gather(ishape_v, [_splat(3)]).astype(jnp.float32)
        kp_scale = jnp.maximum(wf, hf) * 0.7
        v2 = wf * wf + hf * hf
        s = (v2 + 1.0) * 0.5
        for _ in range(30):
            s = 0.5 * (s + v2 / s)
        len_scale = s * 0.7

        nx = (x - wf * 0.5) / kp_scale
        ny = (y - hf * 0.5) / kp_scale
        na = (an - 45.0) / (180.0 * 0.7)
        nl = (ln - len_scale * 0.5) / len_scale

        for c in range(_D // _L):
            col = (c * _L + lanes) * 4
            w0 = plsc.load_gather(w_v, [col])
            w1 = plsc.load_gather(w_v, [col + 1])
            w2 = plsc.load_gather(w_v, [col + 2])
            w3 = plsc.load_gather(w_v, [col + 3])
            g_v[pl.ds(c * _L, _L)] = nx * w0 + ny * w1 + na * w2 + nl * w3

        pltpu.sync_copy(g_v, g_hbm.at[b, 0, :])


def _tc_stream_body(num_ref, g_ref, emb_ref, out_ref):
    b = pl.program_id(0)
    row = lax.broadcasted_iota(jnp.int32, (_BM, 1), 0)
    mask = row < num_ref[b]
    out_ref[0] = emb_ref[0] + jnp.where(mask, g_ref[0], 0.0)


@jax.jit
def kernel(emb, num, pts, indeces, image_shape, W):
    num = num.astype(jnp.int32)
    indeces = indeces.astype(jnp.int32)
    image_shape = image_shape.astype(jnp.int32)

    pts1 = pts.reshape(_B * _N * 5)
    w1 = W.reshape(_D * 4)

    mesh = plsc.VectorSubcoreMesh(core_axis_name="c", subcore_axis_name="s")
    g = pl.kernel(
        _sc_proj_body,
        mesh=mesh,
        out_type=jax.ShapeDtypeStruct((_B, 1, _D), jnp.float32),
        scratch_types=[
            pltpu.VMEM((_B,), jnp.int32),
            pltpu.VMEM((4,), jnp.int32),
            pltpu.VMEM((32,), jnp.float32),
            pltpu.VMEM((_D * 4,), jnp.float32),
            pltpu.VMEM((_D,), jnp.float32),
        ],
        compiler_params=pltpu.CompilerParams(needs_layout_passes=False),
    )(pts1, indeces, image_shape, w1)

    return pl.pallas_call(
        _tc_stream_body,
        grid_spec=pltpu.PrefetchScalarGridSpec(
            num_scalar_prefetch=1,
            grid=(_B,),
            in_specs=[
                pl.BlockSpec((1, 1, _D), lambda b, n: (b, 0, 0)),
                pl.BlockSpec((1, _BM, _D), lambda b, n: (b, 0, 0)),
            ],
            out_specs=pl.BlockSpec((1, _BM, _D), lambda b, n: (b, 0, 0)),
        ),
        out_shape=jax.ShapeDtypeStruct((_B, _M, _D), emb.dtype),
        compiler_params=pltpu.CompilerParams(
            dimension_semantics=("parallel",),
        ),
    )(num, g, emb)

# --- scband reference (transcript-rebuilt; emitter-appended) ---
"""Pipeline reference for scband-pos-feature-layer-83416854823346 (READ-ONLY COPY).

The authoritative reference and input builder live on the scoring server;
editing this copy changes nothing except your own understanding.
"""

import jax, jax.numpy as jnp
import numpy as np

B, M, N, D = 16, 8192, 8192, 256

def setup_inputs(seed: int = 0) -> dict:
    key = jax.random.key(seed)
    ks = jax.random.split(key, 6)
    emb = jax.random.normal(ks[0], (B, M, D), dtype=jnp.float32)
    pts = jax.random.normal(ks[1], (B, N, 5), dtype=jnp.float32)
    num = jax.random.randint(ks[2], (B,), 0, M)
    indeces = jax.random.randint(ks[3], (B,), 0, N)
    image_shape = jax.random.randint(ks[4], (4,), 1, 512)
    bound = 1.414 * np.sqrt(6.0 / (4 + D))
    W = jax.random.uniform(ks[5], (D, 4), minval=-bound, maxval=bound, dtype=jnp.float32)
    return {"emb": emb, "num": num, "pts": pts, "indeces": indeces, "image_shape": image_shape, "W": W}

def reference(emb, num, pts, indeces, image_shape, W):
    hf = image_shape[2].astype(jnp.float32)
    wf = image_shape[3].astype(jnp.float32)
    # normalize_keypoints: size=[w,h], center=size/2, scaling=max(size)*0.7
    size = jnp.stack([wf, hf])
    center = size / 2.0
    scaling = jnp.max(size) * 0.7
    norm_kpts = (pts[:, :, :2] - center[None, None, :]) / scaling
    # normalize_angle: (angle-45)/(180*0.7)
    norm_angle = (pts[:, :, 4:5] - 45.0) / (180.0 * 0.7)
    # normalize_len: scaling=sqrt(w^2+h^2)*0.7, center=scaling/2
    max_length = jnp.sqrt(wf * wf + hf * hf)
    len_scaling = max_length * 0.7
    norm_len = (pts[:, :, 3:4] - len_scaling / 2.0) / len_scaling
    using_pts = jnp.concatenate([norm_kpts, norm_angle, norm_len], axis=-1)
    pose_feature = using_pts @ W.T
    # emb[b,:num[b],:] += pose_feature[b, indeces[b], :]  (row broadcast over num[b] slots)
    gathered = pose_feature[jnp.arange(emb.shape[0]), indeces, :]
    mask = jnp.arange(emb.shape[1])[None, :] < num[:, None]
    out = emb + jnp.where(mask[:, :, None], gathered[:, None, :], jnp.zeros((), dtype=emb.dtype))
    return out

if __name__ == "__main__":
    import jax
    _d = setup_inputs()
    print(jax.jit(kernel)(*tuple(_d.values())))

</pallas_src>

<mosaic_0001>
#map = affine_map<(d0, d1) -> (0)>
#map1 = affine_map<(d0, d1) -> (0, 0, 0)>
module attributes {stable_mosaic.version = 14 : i64} {
  func.func @_sc_proj_body(%arg0: i32, %arg1: i32, %arg2: memref<655360xf32, #tpu.memory_space<hbm>>, %arg3: memref<16xi32, #tpu.memory_space<hbm>>, %arg4: memref<4xi32, #tpu.memory_space<hbm>>, %arg5: memref<1024xf32, #tpu.memory_space<hbm>>, %arg6: memref<16x1x256xf32, #tpu.memory_space<hbm>>, %arg7: memref<16xi32, #tpu.memory_space<vmem>>, %arg8: memref<4xi32, #tpu.memory_space<vmem>>, %arg9: memref<32xf32, #tpu.memory_space<vmem>>, %arg10: memref<1024xf32, #tpu.memory_space<vmem>>, %arg11: memref<256xf32, #tpu.memory_space<vmem>>) attributes {dimension_semantics = [#tpu.dimension_semantics<core_parallel>, #tpu.dimension_semantics<subcore_parallel>], iteration_bounds = array<i64: 2, 16>, scalar_prefetch = 0 : i64, scratch_operands = 5 : i64, tpu.core_type = #tpu.core_type<sc_vector_subcore>, window_params = [{transform_indices = #map}, {transform_indices = #map}, {transform_indices = #map}, {transform_indices = #map}, {transform_indices = #map1}]} {
    %mul3A = arith.constant 2 : i32
    %mul3A_0 = arith.muli %arg1, %mul3A : i32
    %add3A = arith.addi %mul3A_0, %arg0 : i32
    %lt3A = arith.constant 16 : i32
    %lt3A_1 = arith.cmpi slt, %add3A, %lt3A : i32
    %convert_element_type3A = arith.extui %lt3A_1 : i1 to i32
    %cond3A = arith.constant 0 : i32
    %cond3A_2 = arith.cmpi ne, %convert_element_type3A, %cond3A : i32
    scf.if %cond3A_2 {
      "tpu.region"() ({
        %run_scoped3A_690 = tpu.sem_alloc : memref<!tpu.dma_semaphore, #tpu.memory_space<semaphore_mem>>
        tpu.enqueue_dma source(%arg3 : memref<16xi32, #tpu.memory_space<hbm>>) target(%arg7 : memref<16xi32, #tpu.memory_space<vmem>>) target_semaphore(%run_scoped3A_690 : memref<!tpu.dma_semaphore, #tpu.memory_space<semaphore_mem>>)
        tpu.wait_dma2 semaphore(%run_scoped3A_690 : memref<!tpu.dma_semaphore, #tpu.memory_space<semaphore_mem>>) src(%arg3 : memref<16xi32, #tpu.memory_space<hbm>>) dst(%arg7 : memref<16xi32, #tpu.memory_space<vmem>>)
        tpu.yield
      }) : () -> ()
      "tpu.region"() ({
        %run_scoped3A_690 = tpu.sem_alloc : memref<!tpu.dma_semaphore, #tpu.memory_space<semaphore_mem>>
        tpu.enqueue_dma source(%arg4 : memref<4xi32, #tpu.memory_space<hbm>>) target(%arg8 : memref<4xi32, #tpu.memory_space<vmem>>) target_semaphore(%run_scoped3A_690 : memref<!tpu.dma_semaphore, #tpu.memory_space<semaphore_mem>>)
        tpu.wait_dma2 semaphore(%run_scoped3A_690 : memref<!tpu.dma_semaphore, #tpu.memory_space<semaphore_mem>>) src(%arg4 : memref<4xi32, #tpu.memory_space<hbm>>) dst(%arg8 : memref<4xi32, #tpu.memory_space<vmem>>)
        tpu.yield
      }) : () -> ()
      "tpu.region"() ({
        %run_scoped3A_690 = tpu.sem_alloc : memref<!tpu.dma_semaphore, #tpu.memory_space<semaphore_mem>>
        tpu.enqueue_dma source(%arg5 : memref<1024xf32, #tpu.memory_space<hbm>>) target(%arg10 : memref<1024xf32, #tpu.memory_space<vmem>>) target_semaphore(%run_scoped3A_690 : memref<!tpu.dma_semaphore, #tpu.memory_space<semaphore_mem>>)
        tpu.wait_dma2 semaphore(%run_scoped3A_690 : memref<!tpu.dma_semaphore, #tpu.memory_space<semaphore_mem>>) src(%arg5 : memref<1024xf32, #tpu.memory_space<hbm>>) dst(%arg10 : memref<1024xf32, #tpu.memory_space<vmem>>)
        tpu.yield
      }) : () -> ()
      %iota3A = tpu.iota {dimensions = array<i32: 0>} : vector<16xi32>
      %broadcast_in_dim3A = vector.broadcast %add3A : i32 to vector<16xi32>
      %gather3A = tpu.vector_load_idx %arg7[%broadcast_in_dim3A] : memref<16xi32, #tpu.memory_space<vmem>>[vector<16xi32>], vector<16xi32>,
      %reduce_max3A = arith.constant true
      %reduce_max3A_3 = vector.broadcast %reduce_max3A : i1 to vector<16xi1>
      %reduce_max3A_4 = arith.constant -2147483648 : i32
      %reduce_max3A_5 = vector.broadcast %reduce_max3A_4 : i32 to vector<16xi32>
      %reduce_max3A_6 = arith.xori %gather3A, %reduce_max3A_5 : vector<16xi32>
      %reduce_max3A_7 = tpu.scan <max>, %reduce_max3A_6 masked %reduce_max3A_3 : vector<16xi32>, vector<16xi1> -> vector<16xi32>
      %reduce_max3A_8 = arith.xori %reduce_max3A_7, %reduce_max3A_5 : vector<16xi32>
      %reduce_max3A_9 = vector.extract %reduce_max3A_8[15] : i32 from vector<16xi32>
      %mul3A_10 = arith.constant 8192 : i32
      %mul3A_11 = arith.muli %add3A, %mul3A_10 : i32
      %add3A_12 = arith.addi %mul3A_11, %reduce_max3A_9 : i32
      %mul3A_13 = arith.constant 5 : i32
      %mul3A_14 = arith.muli %add3A_12, %mul3A_13 : i32
      %jit3A = arith.constant 8 : i32
      %div3A = arith.divsi %mul3A_14, %jit3A : i32
      %sign3A = arith.constant 0 : i32
      %sign3A_15 = arith.cmpi sgt, %mul3A_14, %sign3A : i32
      %sign3A_16 = arith.extui %sign3A_15 : i1 to i32
      %sign3A_17 = arith.constant 0 : i32
      %sign3A_18 = arith.cmpi slt, %mul3A_14, %sign3A_17 : i32
      %sign3A_19 = arith.extui %sign3A_18 : i1 to i32
      %sign3A_20 = arith.subi %sign3A_16, %sign3A_19 : i32
      %sign3A_21 = arith.constant 0 : i32
      %sign3A_22 = arith.cmpi sgt, %jit3A, %sign3A_21 : i32
      %sign3A_23 = arith.extui %sign3A_22 : i1 to i32
      %sign3A_24 = arith.constant 0 : i32
      %sign3A_25 = arith.cmpi slt, %jit3A, %sign3A_24 : i32
      %sign3A_26 = arith.extui %sign3A_25 : i1 to i32
      %sign3A_27 = arith.subi %sign3A_23, %sign3A_26 : i32
      %ne3A = arith.cmpi ne, %sign3A_20, %sign3A_27 : i32
      %rem3A = arith.remsi %mul3A_14, %jit3A : i32
      %ne3A_28 = arith.constant 0 : i32
      %ne3A_29 = arith.cmpi ne, %rem3A, %ne3A_28 : i32
      %and3A = arith.andi %ne3A, %ne3A_29 : i1
      %sub3A = arith.constant 1 : i32
      %sub3A_30 = arith.subi %div3A, %sub3A : i32
      %select_n3A = arith.select %and3A, %sub3A_30, %div3A : i32
      %mul3A_31 = arith.constant 8 : i32
      %mul3A_32 = arith.muli %select_n3A, %mul3A_31 : i32
      %min3A = arith.constant 655328 : i32
      %min3A_33 = arith.minsi %mul3A_32, %min3A : i32
      %sub3A_34 = arith.subi %mul3A_14, %min3A_33 : i32
      "tpu.region"() ({
        %run_scoped3A_690 = tpu.sem_alloc : memref<!tpu.dma_semaphore, #tpu.memory_space<semaphore_mem>>
        %dma_start3A = tpu.memref_slice %arg2[%min3A_33] : memref<655360xf32, #tpu.memory_space<hbm>> -> memref<32xf32, #tpu.memory_space<hbm>>
        %dma_start3A_691 = tpu.memref_slice %arg2[%min3A_33] : memref<655360xf32, #tpu.memory_space<hbm>> -> memref<32xf32, #tpu.memory_space<hbm>>
        tpu.enqueue_dma source(%dma_start3A_691 : memref<32xf32, #tpu.memory_space<hbm>>) target(%arg9 : memref<32xf32, #tpu.memory_space<vmem>>) target_semaphore(%run_scoped3A_690 : memref<!tpu.dma_semaphore, #tpu.memory_space<semaphore_mem>>)
        %dma_wait3A = tpu.memref_slice %arg2[%min3A_33] : memref<655360xf32, #tpu.memory_space<hbm>> -> memref<32xf32, #tpu.memory_space<hbm>>
        %dma_wait3A_692 = tpu.memref_slice %arg2[%min3A_33] : memref<655360xf32, #tpu.memory_space<hbm>> -> memref<32xf32, #tpu.memory_space<hbm>>
        tpu.wait_dma2 semaphore(%run_scoped3A_690 : memref<!tpu.dma_semaphore, #tpu.memory_space<semaphore_mem>>) src(%dma_wait3A_692 : memref<32xf32, #tpu.memory_space<hbm>>) dst(%arg9 : memref<32xf32, #tpu.memory_space<vmem>>)
        tpu.yield
      }) : () -> ()
      %broadcast_in_dim3A_35 = vector.broadcast %sub3A_34 : i32 to vector<16xi32>
      %gather3A_36 = tpu.vector_load_idx %arg9[%broadcast_in_dim3A_35] : memref<32xf32, #tpu.memory_space<vmem>>[vector<16xi32>], vector<16xf32>,
      %add3A_37 = arith.constant 1 : i32
      %add3A_38 = arith.addi %sub3A_34, %add3A_37 : i32
      %broadcast_in_dim3A_39 = vector.broadcast %add3A_38 : i32 to vector<16xi32>
      %gather3A_40 = tpu.vector_load_idx %arg9[%broadcast_in_dim3A_39] : memref<32xf32, #tpu.memory_space<vmem>>[vector<16xi32>], vector<16xf32>,
      %add3A_41 = arith.constant 3 : i32
      %add3A_42 = arith.addi %sub3A_34, %add3A_41 : i32
      %broadcast_in_dim3A_43 = vector.broadcast %add3A_42 : i32 to vector<16xi32>
      %gather3A_44 = tpu.vector_load_idx %arg9[%broadcast_in_dim3A_43] : memref<32xf32, #tpu.memory_space<vmem>>[vector<16xi32>], vector<16xf32>,
      %add3A_45 = arith.constant 4 : i32
      %add3A_46 = arith.addi %sub3A_34, %add3A_45 : i32
      %broadcast_in_dim3A_47 = vector.broadcast %add3A_46 : i32 to vector<16xi32>
      %gather3A_48 = tpu.vector_load_idx %arg9[%broadcast_in_dim3A_47] : memref<32xf32, #tpu.memory_space<vmem>>[vector<16xi32>], vector<16xf32>,
      %broadcast_in_dim3A_49 = arith.constant 2 : i32
      %broadcast_in_dim3A_50 = vector.broadcast %broadcast_in_dim3A_49 : i32 to vector<16xi32>
      %gather3A_51 = tpu.vector_load_idx %arg8[%broadcast_in_dim3A_50] : memref<4xi32, #tpu.memory_space<vmem>>[vector<16xi32>], vector<16xi32>,
      %convert_element_type3A_52 = arith.sitofp %gather3A_51 : vector<16xi32> to vector<16xf32>
      %broadcast_in_dim3A_53 = arith.constant 3 : i32
      %broadcast_in_dim3A_54 = vector.broadcast %broadcast_in_dim3A_53 : i32 to vector<16xi32>
      %gather3A_55 = tpu.vector_load_idx %arg8[%broadcast_in_dim3A_54] : memref<4xi32, #tpu.memory_space<vmem>>[vector<16xi32>], vector<16xi32>,
      %convert_element_type3A_56 = arith.sitofp %gather3A_55 : vector<16xi32> to vector<16xf32>
      %max3A = arith.maximumf %convert_element_type3A_56, %convert_element_type3A_52 : vector<16xf32>
      %mul3A_57 = arith.constant 0.699999988 : f32
      %mul3A_58 = vector.broadcast %mul3A_57 : f32 to vector<16xf32>
      %mul3A_59 = arith.mulf %max3A, %mul3A_58 : vector<16xf32>
      %mul3A_60 = arith.mulf %convert_element_type3A_56, %convert_element_type3A_56 : vector<16xf32>
      %mul3A_61 = arith.mulf %convert_element_type3A_52, %convert_element_type3A_52 : vector<16xf32>
      %add3A_62 = arith.addf %mul3A_60, %mul3A_61 : vector<16xf32>
      %add3A_63 = arith.constant 1.000000e+00 : f32
      %add3A_64 = vector.broadcast %add3A_63 : f32 to vector<16xf32>
      %add3A_65 = arith.addf %add3A_62, %add3A_64 : vector<16xf32>
      %mul3A_66 = arith.constant 5.000000e-01 : f32
      %mul3A_67 = vector.broadcast %mul3A_66 : f32 to vector<16xf32>
      %mul3A_68 = arith.mulf %add3A_65, %mul3A_67 : vector<16xf32>
      %div3A_69 = arith.divf %add3A_62, %mul3A_68 : vector<16xf32>
      %add3A_70 = arith.addf %mul3A_68, %div3A_69 : vector<16xf32>
      %mul3A_71 = arith.constant 5.000000e-01 : f32
      %mul3A_72 = vector.broadcast %mul3A_71 : f32 to vector<16xf32>
      %mul3A_73 = arith.mulf %mul3A_72, %add3A_70 : vector<16xf32>
      %div3A_74 = arith.divf %add3A_62, %mul3A_73 : vector<16xf32>
      %add3A_75 = arith.addf %mul3A_73, %div3A_74 : vector<16xf32>
      %mul3A_76 = arith.constant 5.000000e-01 : f32
      %mul3A_77 = vector.broadcast %mul3A_76 : f32 to vector<16xf32>
      %mul3A_78 = arith.mulf %mul3A_77, %add3A_75 : vector<16xf32>
      %div3A_79 = arith.divf %add3A_62, %mul3A_78 : vector<16xf32>
      %add3A_80 = arith.addf %mul3A_78, %div3A_79 : vector<16xf32>
      %mul3A_81 = arith.constant 5.000000e-01 : f32
      %mul3A_82 = vector.broadcast %mul3A_81 : f32 to vector<16xf32>
      %mul3A_83 = arith.mulf %mul3A_82, %add3A_80 : vector<16xf32>
      %div3A_84 = arith.divf %add3A_62, %mul3A_83 : vector<16xf32>
      %add3A_85 = arith.addf %mul3A_83, %div3A_84 : vector<16xf32>
      %mul3A_86 = arith.constant 5.000000e-01 : f32
      %mul3A_87 = vector.broadcast %mul3A_86 : f32 to vector<16xf32>
      %mul3A_88 = arith.mulf %mul3A_87, %add3A_85 : vector<16xf32>
      %div3A_89 = arith.divf %add3A_62, %mul3A_88 : vector<16xf32>
      %add3A_90 = arith.addf %mul3A_88, %div3A_89 : vector<16xf32>
      %mul3A_91 = arith.constant 5.000000e-01 : f32
      %mul3A_92 = vector.broadcast %mul3A_91 : f32 to vector<16xf32>
      %mul3A_93 = arith.mulf %mul3A_92, %add3A_90 : vector<16xf32>
      %div3A_94 = arith.divf %add3A_62, %mul3A_93 : vector<16xf32>
      %add3A_95 = arith.addf %mul3A_93, %div3A_94 : vector<16xf32>
      %mul3A_96 = arith.constant 5.000000e-01 : f32
      %mul3A_97 = vector.broadcast %mul3A_96 : f32 to vector<16xf32>
      %mul3A_98 = arith.mulf %mul3A_97, %add3A_95 : vector<16xf32>
      %div3A_99 = arith.divf %add3A_62, %mul3A_98 : vector<16xf32>
      %add3A_100 = arith.addf %mul3A_98, %div3A_99 : vector<16xf32>
      %mul3A_101 = arith.constant 5.000000e-01 : f32
      %mul3A_102 = vector.broadcast %mul3A_101 : f32 to vector<16xf32>
      %mul3A_103 = arith.mulf %mul3A_102, %add3A_100 : vector<16xf32>
      %div3A_104 = arith.divf %add3A_62, %mul3A_103 : vector<16xf32>
      %add3A_105 = arith.addf %mul3A_103, %div3A_104 : vector<16xf32>
      %mul3A_106 = arith.constant 5.000000e-01 : f32
      %mul3A_107 = vector.broadcast %mul3A_106 : f32 to vector<16xf32>
      %mul3A_108 = arith.mulf %mul3A_107, %add3A_105 : vector<16xf32>
      %div3A_109 = arith.divf %add3A_62, %mul3A_108 : vector<16xf32>
      %add3A_110 = arith.addf %mul3A_108, %div3A_109 : vector<16xf32>
      %mul3A_111 = arith.constant 5.000000e-01 : f32
      %mul3A_112 = vector.broadcast %mul3A_111 : f32 to vector<16xf32>
      %mul3A_113 = arith.mulf %mul3A_112, %add3A_110 : vector<16xf32>
      %div3A_114 = arith.divf %add3A_62, %mul3A_113 : vector<16xf32>
      %add3A_115 = arith.addf %mul3A_113, %div3A_114 : vector<16xf32>
      %mul3A_116 = arith.constant 5.000000e-01 : f32
      %mul3A_117 = vector.broadcast %mul3A_116 : f32 to vector<16xf32>
      %mul3A_118 = arith.mulf %mul3A_117, %add3A_115 : vector<16xf32>
      %div3A_119 = arith.divf %add3A_62, %mul3A_118 : vector<16xf32>
      %add3A_120 = arith.addf %mul3A_118, %div3A_119 : vector<16xf32>
      %mul3A_121 = arith.constant 5.000000e-01 : f32
      %mul3A_122 = vector.broadcast %mul3A_121 : f32 to vector<16xf32>
      %mul3A_123 = arith.mulf %mul3A_122, %add3A_120 : vector<16xf32>
      %div3A_124 = arith.divf %add3A_62, %mul3A_123 : vector<16xf32>
      %add3A_125 = arith.addf %mul3A_123, %div3A_124 : vector<16xf32>
      %mul3A_126 = arith.constant 5.000000e-01 : f32
      %mul3A_127 = vector.broadcast %mul3A_126 : f32 to vector<16xf32>
      %mul3A_128 = arith.mulf %mul3A_127, %add3A_125 : vector<16xf32>
      %div3A_129 = arith.divf %add3A_62, %mul3A_128 : vector<16xf32>
      %add3A_130 = arith.addf %mul3A_128, %div3A_129 : vector<16xf32>
      %mul3A_131 = arith.constant 5.000000e-01 : f32
      %mul3A_132 = vector.broadcast %mul3A_131 : f32 to vector<16xf32>
      %mul3A_133 = arith.mulf %mul3A_132, %add3A_130 : vector<16xf32>
      %div3A_134 = arith.divf %add3A_62, %mul3A_133 : vector<16xf32>
      %add3A_135 = arith.addf %mul3A_133, %div3A_134 : vector<16xf32>
      %mul3A_136 = arith.constant 5.000000e-01 : f32
      %mul3A_137 = vector.broadcast %mul3A_136 : f32 to vector<16xf32>
      %mul3A_138 = arith.mulf %mul3A_137, %add3A_135 : vector<16xf32>
      %div3A_139 = arith.divf %add3A_62, %mul3A_138 : vector<16xf32>
      %add3A_140 = arith.addf %mul3A_138, %div3A_139 : vector<16xf32>
      %mul3A_141 = arith.constant 5.000000e-01 : f32
      %mul3A_142 = vector.broadcast %mul3A_141 : f32 to vector<16xf32>
      %mul3A_143 = arith.mulf %mul3A_142, %add3A_140 : vector<16xf32>
      %div3A_144 = arith.divf %add3A_62, %mul3A_143 : vector<16xf32>
      %add3A_145 = arith.addf %mul3A_143, %div3A_144 : vector<16xf32>
      %mul3A_146 = arith.constant 5.000000e-01 : f32
      %mul3A_147 = vector.broadcast %mul3A_146 : f32 to vector<16xf32>
      %mul3A_148 = arith.mulf %mul3A_147, %add3A_145 : vector<16xf32>
      %div3A_149 = arith.divf %add3A_62, %mul3A_148 : vector<16xf32>
      %add3A_150 = arith.addf %mul3A_148, %div3A_149 : vector<16xf32>
      %mul3A_151 = arith.constant 5.000000e-01 : f32
      %mul3A_152 = vector.broadcast %mul3A_151 : f32 to vector<16xf32>
      %mul3A_153 = arith.mulf %mul3A_152, %add3A_150 : vector<16xf32>
      %div3A_154 = arith.divf %add3A_62, %mul3A_153 : vector<16xf32>
      %add3A_155 = arith.addf %mul3A_153, %div3A_154 : vector<16xf32>
      %mul3A_156 = arith.constant 5.000000e-01 : f32
      %mul3A_157 = vector.broadcast %mul3A_156 : f32 to vector<16xf32>
      %mul3A_158 = arith.mulf %mul3A_157, %add3A_155 : vector<16xf32>
      %div3A_159 = arith.divf %add3A_62, %mul3A_158 : vector<16xf32>
      %add3A_160 = arith.addf %mul3A_158, %div3A_159 : vector<16xf32>
      %mul3A_161 = arith.constant 5.000000e-01 : f32
      %mul3A_162 = vector.broadcast %mul3A_161 : f32 to vector<16xf32>
      %mul3A_163 = arith.mulf %mul3A_162, %add3A_160 : vector<16xf32>
      %div3A_164 = arith.divf %add3A_62, %mul3A_163 : vector<16xf32>
      %add3A_165 = arith.addf %mul3A_163, %div3A_164 : vector<16xf32>
      %mul3A_166 = arith.constant 5.000000e-01 : f32
      %mul3A_167 = vector.broadcast %mul3A_166 : f32 to vector<16xf32>
      %mul3A_168 = arith.mulf %mul3A_167, %add3A_165 : vector<16xf32>
      %div3A_169 = arith.divf %add3A_62, %mul3A_168 : vector<16xf32>
      %add3A_170 = arith.addf %mul3A_168, %div3A_169 : vector<16xf32>
      %mul3A_171 = arith.constant 5.000000e-01 : f32
      %mul3A_172 = vector.broadcast %mul3A_171 : f32 to vector<16xf32>
      %mul3A_173 = arith.mulf %mul3A_172, %add3A_170 : vector<16xf32>
      %div3A_174 = arith.divf %add3A_62, %mul3A_173 : vector<16xf32>
      %add3A_175 = arith.addf %mul3A_173, %div3A_174 : vector<16xf32>
      %mul3A_176 = arith.constant 5.000000e-01 : f32
      %mul3A_177 = vector.broadcast %mul3A_176 : f32 to vector<16xf32>
      %mul3A_178 = arith.mulf %mul3A_177, %add3A_175 : vector<16xf32>
      %div3A_179 = arith.divf %add3A_62, %mul3A_178 : vector<16xf32>
      %add3A_180 = arith.addf %mul3A_178, %div3A_179 : vector<16xf32>
      %mul3A_181 = arith.constant 5.000000e-01 : f32
      %mul3A_182 = vector.broadcast %mul3A_181 : f32 to vector<16xf32>
      %mul3A_183 = arith.mulf %mul3A_182, %add3A_180 : vector<16xf32>
      %div3A_184 = arith.divf %add3A_62, %mul3A_183 : vector<16xf32>
      %add3A_185 = arith.addf %mul3A_183, %div3A_184 : vector<16xf32>
      %mul3A_186 = arith.constant 5.000000e-01 : f32
      %mul3A_187 = vector.broadcast %mul3A_186 : f32 to vector<16xf32>
      %mul3A_188 = arith.mulf %mul3A_187, %add3A_185 : vector<16xf32>
      %div3A_189 = arith.divf %add3A_62, %mul3A_188 : vector<16xf32>
      %add3A_190 = arith.addf %mul3A_188, %div3A_189 : vector<16xf32>
      %mul3A_191 = arith.constant 5.000000e-01 : f32
      %mul3A_192 = vector.broadcast %mul3A_191 : f32 to vector<16xf32>
      %mul3A_193 = arith.mulf %mul3A_192, %add3A_190 : vector<16xf32>
      %div3A_194 = arith.divf %add3A_62, %mul3A_193 : vector<16xf32>
      %add3A_195 = arith.addf %mul3A_193, %div3A_194 : vector<16xf32>
      %mul3A_196 = arith.constant 5.000000e-01 : f32
      %mul3A_197 = vector.broadcast %mul3A_196 : f32 to vector<16xf32>
      %mul3A_198 = arith.mulf %mul3A_197, %add3A_195 : vector<16xf32>
      %div3A_199 = arith.divf %add3A_62, %mul3A_198 : vector<16xf32>
      %add3A_200 = arith.addf %mul3A_198, %div3A_199 : vector<16xf32>
      %mul3A_201 = arith.constant 5.000000e-01 : f32
      %mul3A_202 = vector.broadcast %mul3A_201 : f32 to vector<16xf32>
      %mul3A_203 = arith.mulf %mul3A_202, %add3A_200 : vector<16xf32>
      %div3A_204 = arith.divf %add3A_62, %mul3A_203 : vector<16xf32>
      %add3A_205 = arith.addf %mul3A_203, %div3A_204 : vector<16xf32>
      %mul3A_206 = arith.constant 5.000000e-01 : f32
      %mul3A_207 = vector.broadcast %mul3A_206 : f32 to vector<16xf32>
      %mul3A_208 = arith.mulf %mul3A_207, %add3A_205 : vector<16xf32>
      %div3A_209 = arith.divf %add3A_62, %mul3A_208 : vector<16xf32>
      %add3A_210 = arith.addf %mul3A_208, %div3A_209 : vector<16xf32>
      %mul3A_211 = arith.constant 5.000000e-01 : f32
      %mul3A_212 = vector.broadcast %mul3A_211 : f32 to vector<16xf32>
      %mul3A_213 = arith.mulf %mul3A_212, %add3A_210 : vector<16xf32>
      %div3A_214 = arith.divf %add3A_62, %mul3A_213 : vector<16xf32>
      %add3A_215 = arith.addf %mul3A_213, %div3A_214 : vector<16xf32>
      %mul3A_216 = arith.constant 5.000000e-01 : f32
      %mul3A_217 = vector.broadcast %mul3A_216 : f32 to vector<16xf32>
      %mul3A_218 = arith.mulf %mul3A_217, %add3A_215 : vector<16xf32>
      %mul3A_219 = arith.constant 0.699999988 : f32
      %mul3A_220 = vector.broadcast %mul3A_219 : f32 to vector<16xf32>
      %mul3A_221 = arith.mulf %mul3A_218, %mul3A_220 : vector<16xf32>
      %mul3A_222 = arith.constant 5.000000e-01 : f32
      %mul3A_223 = vector.broadcast %mul3A_222 : f32 to vector<16xf32>
      %mul3A_224 = arith.mulf %convert_element_type3A_56, %mul3A_223 : vector<16xf32>
      %sub3A_225 = arith.subf %gather3A_36, %mul3A_224 : vector<16xf32>
      %div3A_226 = arith.divf %sub3A_225, %mul3A_59 : vector<16xf32>
      %mul3A_227 = arith.constant 5.000000e-01 : f32
      %mul3A_228 = vector.broadcast %mul3A_227 : f32 to vector<16xf32>
      %mul3A_229 = arith.mulf %convert_element_type3A_52, %mul3A_228 : vector<16xf32>
      %sub3A_230 = arith.subf %gather3A_40, %mul3A_229 : vector<16xf32>
      %div3A_231 = arith.divf %sub3A_230, %mul3A_59 : vector<16xf32>
      %sub3A_232 = arith.constant 4.500000e+01 : f32
      %sub3A_233 = vector.broadcast %sub3A_232 : f32 to vector<16xf32>
      %sub3A_234 = arith.subf %gather3A_48, %sub3A_233 : vector<16xf32>
      %div3A_235 = arith.constant 1.260000e+02 : f32
      %div3A_236 = vector.broadcast %div3A_235 : f32 to vector<16xf32>
      %div3A_237 = arith.divf %sub3A_234, %div3A_236 : vector<16xf32>
      %mul3A_238 = arith.constant 5.000000e-01 : f32
      %mul3A_239 = vector.broadcast %mul3A_238 : f32 to vector<16xf32>
      %mul3A_240 = arith.mulf %mul3A_221, %mul3A_239 : vector<16xf32>
      %sub3A_241 = arith.subf %gather3A_44, %mul3A_240 : vector<16xf32>
      %div3A_242 = arith.divf %sub3A_241, %mul3A_221 : vector<16xf32>
      %add3A_243 = arith.constant 0 : i32
      %add3A_244 = vector.broadcast %add3A_243 : i32 to vector<16xi32>
      %add3A_245 = arith.addi %add3A_244, %iota3A : vector<16xi32>
      %mul3A_246 = arith.constant 4 : i32
      %mul3A_247 = vector.broadcast %mul3A_246 : i32 to vector<16xi32>
      %mul3A_248 = arith.muli %add3A_245, %mul3A_247 : vector<16xi32>
      %gather3A_249 = tpu.vector_load_idx %arg10[%mul3A_248] : memref<1024xf32, #tpu.memory_space<vmem>>[vector<16xi32>], vector<16xf32>,
      %add3A_250 = arith.constant 1 : i32
      %add3A_251 = vector.broadcast %add3A_250 : i32 to vector<16xi32>
      %add3A_252 = arith.addi %mul3A_248, %add3A_251 : vector<16xi32>
      %gather3A_253 = tpu.vector_load_idx %arg10[%add3A_252] : memref<1024xf32, #tpu.memory_space<vmem>>[vector<16xi32>], vector<16xf32>,
      %add3A_254 = arith.constant 2 : i32
      %add3A_255 = vector.broadcast %add3A_254 : i32 to vector<16xi32>
      %add3A_256 = arith.addi %mul3A_248, %add3A_255 : vector<16xi32>
      %gather3A_257 = tpu.vector_load_idx %arg10[%add3A_256] : memref<1024xf32, #tpu.memory_space<vmem>>[vector<16xi32>], vector<16xf32>,
      %add3A_258 = arith.constant 3 : i32
      %add3A_259 = vector.broadcast %add3A_258 : i32 to vector<16xi32>
      %add3A_260 = arith.addi %mul3A_248, %add3A_259 : vector<16xi32>
      %gather3A_261 = tpu.vector_load_idx %arg10[%add3A_260] : memref<1024xf32, #tpu.memory_space<vmem>>[vector<16xi32>], vector<16xf32>,
      %mul3A_262 = arith.mulf %div3A_226, %gather3A_249 : vector<16xf32>
      %mul3A_263 = arith.mulf %div3A_231, %gather3A_253 : vector<16xf32>
      %add3A_264 = arith.addf %mul3A_262, %mul3A_263 : vector<16xf32>
      %mul3A_265 = arith.mulf %div3A_237, %gather3A_257 : vector<16xf32>
      %add3A_266 = arith.addf %add3A_264, %mul3A_265 : vector<16xf32>
      %mul3A_267 = arith.mulf %div3A_242, %gather3A_261 : vector<16xf32>
      %add3A_268 = arith.addf %add3A_266, %mul3A_267 : vector<16xf32>
      %swap3A = arith.constant 0 : index
      %swap3A_269 = tpu.vector_load %arg11[%swap3A] {strides = array<i32>} : memref<256xf32, #tpu.memory_space<vmem>>, vector<16xf32>,
      tpu.vector_store %arg11[%swap3A], %add3A_268 {strides = array<i32>} : memref<256xf32, #tpu.memory_space<vmem>>, vector<16xf32>,
      %add3A_270 = arith.constant 16 : i32
      %add3A_271 = vector.broadcast %add3A_270 : i32 to vector<16xi32>
      %add3A_272 = arith.addi %add3A_271, %iota3A : vector<16xi32>
      %mul3A_273 = arith.constant 4 : i32
      %mul3A_274 = vector.broadcast %mul3A_273 : i32 to vector<16xi32>
      %mul3A_275 = arith.muli %add3A_272, %mul3A_274 : vector<16xi32>
      %gather3A_276 = tpu.vector_load_idx %arg10[%mul3A_275] : memref<1024xf32, #tpu.memory_space<vmem>>[vector<16xi32>], vector<16xf32>,
      %add3A_277 = arith.constant 1 : i32
      %add3A_278 = vector.broadcast %add3A_277 : i32 to vector<16xi32>
      %add3A_279 = arith.addi %mul3A_275, %add3A_278 : vector<16xi32>
      %gather3A_280 = tpu.vector_load_idx %arg10[%add3A_279] : memref<1024xf32, #tpu.memory_space<vmem>>[vector<16xi32>], vector<16xf32>,
      %add3A_281 = arith.constant 2 : i32
      %add3A_282 = vector.broadcast %add3A_281 : i32 to vector<16xi32>
      %add3A_283 = arith.addi %mul3A_275, %add3A_282 : vector<16xi32>
      %gather3A_284 = tpu.vector_load_idx %arg10[%add3A_283] : memref<1024xf32, #tpu.memory_space<vmem>>[vector<16xi32>], vector<16xf32>,
      %add3A_285 = arith.constant 3 : i32
      %add3A_286 = vector.broadcast %add3A_285 : i32 to vector<16xi32>
      %add3A_287 = arith.addi %mul3A_275, %add3A_286 : vector<16xi32>
      %gather3A_288 = tpu.vector_load_idx %arg10[%add3A_287] : memref<1024xf32, #tpu.memory_space<vmem>>[vector<16xi32>], vector<16xf32>,
      %mul3A_289 = arith.mulf %div3A_226, %gather3A_276 : vector<16xf32>
      %mul3A_290 = arith.mulf %div3A_231, %gather3A_280 : vector<16xf32>
      %add3A_291 = arith.addf %mul3A_289, %mul3A_290 : vector<16xf32>
      %mul3A_292 = arith.mulf %div3A_237, %gather3A_284 : vector<16xf32>
      %add3A_293 = arith.addf %add3A_291, %mul3A_292 : vector<16xf32>
      %mul3A_294 = arith.mulf %div3A_242, %gather3A_288 : vector<16xf32>
      %add3A_295 = arith.addf %add3A_293, %mul3A_294 : vector<16xf32>
      %swap3A_296 = arith.constant 16 : index
      %swap3A_297 = tpu.vector_load %arg11[%swap3A_296] {strides = array<i32>} : memref<256xf32, #tpu.memory_space<vmem>>, vector<16xf32>,
      tpu.vector_store %arg11[%swap3A_296], %add3A_295 {strides = array<i32>} : memref<256xf32, #tpu.memory_space<vmem>>, vector<16xf32>,
      %add3A_298 = arith.constant 32 : i32
      %add3A_299 = vector.broadcast %add3A_298 : i32 to vector<16xi32>
      %add3A_300 = arith.addi %add3A_299, %iota3A : vector<16xi32>
      %mul3A_301 = arith.constant 4 : i32
      %mul3A_302 = vector.broadcast %mul3A_301 : i32 to vector<16xi32>
      %mul3A_303 = arith.muli %add3A_300, %mul3A_302 : vector<16xi32>
      %gather3A_304 = tpu.vector_load_idx %arg10[%mul3A_303] : memref<1024xf32, #tpu.memory_space<vmem>>[vector<16xi32>], vector<16xf32>,
      %add3A_305 = arith.constant 1 : i32
      %add3A_306 = vector.broadcast %add3A_305 : i32 to vector<16xi32>
      %add3A_307 = arith.addi %mul3A_303, %add3A_306 : vector<16xi32>
      %gather3A_308 = tpu.vector_load_idx %arg10[%add3A_307] : memref<1024xf32, #tpu.memory_space<vmem>>[vector<16xi32>], vector<16xf32>,
      %add3A_309 = arith.constant 2 : i32
      %add3A_310 = vector.broadcast %add3A_309 : i32 to vector<16xi32>
      %add3A_311 = arith.addi %mul3A_303, %add3A_310 : vector<16xi32>
      %gather3A_312 = tpu.vector_load_idx %arg10[%add3A_311] : memref<1024xf32, #tpu.memory_space<vmem>>[vector<16xi32>], vector<16xf32>,
      %add3A_313 = arith.constant 3 : i32
      %add3A_314 = vector.broadcast %add3A_313 : i32 to vector<16xi32>
      %add3A_315 = arith.addi %mul3A_303, %add3A_314 : vector<16xi32>
      %gather3A_316 = tpu.vector_load_idx %arg10[%add3A_315] : memref<1024xf32, #tpu.memory_space<vmem>>[vector<16xi32>], vector<16xf32>,
      %mul3A_317 = arith.mulf %div3A_226, %gather3A_304 : vector<16xf32>
      %mul3A_318 = arith.mulf %div3A_231, %gather3A_308 : vector<16xf32>
      %add3A_319 = arith.addf %mul3A_317, %mul3A_318 : vector<16xf32>
      %mul3A_320 = arith.mulf %div3A_237, %gather3A_312 : vector<16xf32>
      %add3A_321 = arith.addf %add3A_319, %mul3A_320 : vector<16xf32>
      %mul3A_322 = arith.mulf %div3A_242, %gather3A_316 : vector<16xf32>
      %add3A_323 = arith.addf %add3A_321, %mul3A_322 : vector<16xf32>
      %swap3A_324 = arith.constant 32 : index
      %swap3A_325 = tpu.vector_load %arg11[%swap3A_324] {strides = array<i32>} : memref<256xf32, #tpu.memory_space<vmem>>, vector<16xf32>,
      tpu.vector_store %arg11[%swap3A_324], %add3A_323 {strides = array<i32>} : memref<256xf32, #tpu.memory_space<vmem>>, vector<16xf32>,
      %add3A_326 = arith.constant 48 : i32
      %add3A_327 = vector.broadcast %add3A_326 : i32 to vector<16xi32>
      %add3A_328 = arith.addi %add3A_327, %iota3A : vector<16xi32>
      %mul3A_329 = arith.constant 4 : i32
      %mul3A_330 = vector.broadcast %mul3A_329 : i32 to vector<16xi32>
      %mul3A_331 = arith.muli %add3A_328, %mul3A_330 : vector<16xi32>
      %gather3A_332 = tpu.vector_load_idx %arg10[%mul3A_331] : memref<1024xf32, #tpu.memory_space<vmem>>[vector<16xi32>], vector<16xf32>,
      %add3A_333 = arith.constant 1 : i32
      %add3A_334 = vector.broadcast %add3A_333 : i32 to vector<16xi32>
      %add3A_335 = arith.addi %mul3A_331, %add3A_334 : vector<16xi32>
      %gather3A_336 = tpu.vector_load_idx %arg10[%add3A_335] : memref<1024xf32, #tpu.memory_space<vmem>>[vector<16xi32>], vector<16xf32>,
      %add3A_337 = arith.constant 2 : i32
      %add3A_338 = vector.broadcast %add3A_337 : i32 to vector<16xi32>
      %add3A_339 = arith.addi %mul3A_331, %add3A_338 : vector<16xi32>
      %gather3A_340 = tpu.vector_load_idx %arg10[%add3A_339] : memref<1024xf32, #tpu.memory_space<vmem>>[vector<16xi32>], vector<16xf32>,
      %add3A_341 = arith.constant 3 : i32
      %add3A_342 = vector.broadcast %add3A_341 : i32 to vector<16xi32>
      %add3A_343 = arith.addi %mul3A_331, %add3A_342 : vector<16xi32>
      %gather3A_344 = tpu.vector_load_idx %arg10[%add3A_343] : memref<1024xf32, #tpu.memory_space<vmem>>[vector<16xi32>], vector<16xf32>,
      %mul3A_345 = arith.mulf %div3A_226, %gather3A_332 : vector<16xf32>
      %mul3A_346 = arith.mulf %div3A_231, %gather3A_336 : vector<16xf32>
      %add3A_347 = arith.addf %mul3A_345, %mul3A_346 : vector<16xf32>
      %mul3A_348 = arith.mulf %div3A_237, %gather3A_340 : vector<16xf32>
      %add3A_349 = arith.addf %add3A_347, %mul3A_348 : vector<16xf32>
      %mul3A_350 = arith.mulf %div3A_242, %gather3A_344 : vector<16xf32>
      %add3A_351 = arith.addf %add3A_349, %mul3A_350 : vector<16xf32>
      %swap3A_352 = arith.constant 48 : index
      %swap3A_353 = tpu.vector_load %arg11[%swap3A_352] {strides = array<i32>} : memref<256xf32, #tpu.memory_space<vmem>>, vector<16xf32>,
      tpu.vector_store %arg11[%swap3A_352], %add3A_351 {strides = array<i32>} : memref<256xf32, #tpu.memory_space<vmem>>, vector<16xf32>,
      %add3A_354 = arith.constant 64 : i32
      %add3A_355 = vector.broadcast %add3A_354 : i32 to vector<16xi32>
      %add3A_356 = arith.addi %add3A_355, %iota3A : vector<16xi32>
      %mul3A_357 = arith.constant 4 : i32
      %mul3A_358 = vector.broadcast %mul3A_357 : i32 to vector<16xi32>
      %mul3A_359 = arith.muli %add3A_356, %mul3A_358 : vector<16xi32>
      %gather3A_360 = tpu.vector_load_idx %arg10[%mul3A_359] : memref<1024xf32, #tpu.memory_space<vmem>>[vector<16xi32>], vector<16xf32>,
      %add3A_361 = arith.constant 1 : i32
      %add3A_362 = vector.broadcast %add3A_361 : i32 to vector<16xi32>
      %add3A_363 = arith.addi %mul3A_359, %add3A_362 : vector<16xi32>
      %gather3A_364 = tpu.vector_load_idx %arg10[%add3A_363] : memref<1024xf32, #tpu.memory_space<vmem>>[vector<16xi32>], vector<16xf32>,
      %add3A_365 = arith.constant 2 : i32
      %add3A_366 = vector.broadcast %add3A_365 : i32 to vector<16xi32>
      %add3A_367 = arith.addi %mul3A_359, %add3A_366 : vector<16xi32>
      %gather3A_368 = tpu.vector_load_idx %arg10[%add3A_367] : memref<1024xf32, #tpu.memory_space<vmem>>[vector<16xi32>], vector<16xf32>,
      %add3A_369 = arith.constant 3 : i32
      %add3A_370 = vector.broadcast %add3A_369 : i32 to vector<16xi32>
      %add3A_371 = arith.addi %mul3A_359, %add3A_370 : vector<16xi32>
      %gather3A_372 = tpu.vector_load_idx %arg10[%add3A_371] : memref<1024xf32, #tpu.memory_space<vmem>>[vector<16xi32>], vector<16xf32>,
      %mul3A_373 = arith.mulf %div3A_226, %gather3A_360 : vector<16xf32>
      %mul3A_374 = arith.mulf %div3A_231, %gather3A_364 : vector<16xf32>
      %add3A_375 = arith.addf %mul3A_373, %mul3A_374 : vector<16xf32>
      %mul3A_376 = arith.mulf %div3A_237, %gather3A_368 : vector<16xf32>
      %add3A_377 = arith.addf %add3A_375, %mul3A_376 : vector<16xf32>
      %mul3A_378 = arith.mulf %div3A_242, %gather3A_372 : vector<16xf32>
      %add3A_379 = arith.addf %add3A_377, %mul3A_378 : vector<16xf32>
      %swap3A_380 = arith.constant 64 : index
      %swap3A_381 = tpu.vector_load %arg11[%swap3A_380] {strides = array<i32>} : memref<256xf32, #tpu.memory_space<vmem>>, vector<16xf32>,
      tpu.vector_store %arg11[%swap3A_380], %add3A_379 {strides = array<i32>} : memref<256xf32, #tpu.memory_space<vmem>>, vector<16xf32>,
      %add3A_382 = arith.constant 80 : i32
      %add3A_383 = vector.broadcast %add3A_382 : i32 to vector<16xi32>
      %add3A_384 = arith.addi %add3A_383, %iota3A : vector<16xi32>
      %mul3A_385 = arith.constant 4 : i32
      %mul3A_386 = vector.broadcast %mul3A_385 : i32 to vector<16xi32>
      %mul3A_387 = arith.muli %add3A_384, %mul3A_386 : vector<16xi32>
      %gather3A_388 = tpu.vector_load_idx %arg10[%mul3A_387] : memref<1024xf32, #tpu.memory_space<vmem>>[vector<16xi32>], vector<16xf32>,
      %add3A_389 = arith.constant 1 : i32
      %add3A_390 = vector.broadcast %add3A_389 : i32 to vector<16xi32>
      %add3A_391 = arith.addi %mul3A_387, %add3A_390 : vector<16xi32>
      %gather3A_392 = tpu.vector_load_idx %arg10[%add3A_391] : memref<1024xf32, #tpu.memory_space<vmem>>[vector<16xi32>], vector<16xf32>,
      %add3A_393 = arith.constant 2 : i32
      %add3A_394 = vector.broadcast %add3A_393 : i32 to vector<16xi32>
      %add3A_395 = arith.addi %mul3A_387, %add3A_394 : vector<16xi32>
      %gather3A_396 = tpu.vector_load_idx %arg10[%add3A_395] : memref<1024xf32, #tpu.memory_space<vmem>>[vector<16xi32>], vector<16xf32>,
      %add3A_397 = arith.constant 3 : i32
      %add3A_398 = vector.broadcast %add3A_397 : i32 to vector<16xi32>
      %add3A_399 = arith.addi %mul3A_387, %add3A_398 : vector<16xi32>
      %gather3A_400 = tpu.vector_load_idx %arg10[%add3A_399] : memref<1024xf32, #tpu.memory_space<vmem>>[vector<16xi32>], vector<16xf32>,
      %mul3A_401 = arith.mulf %div3A_226, %gather3A_388 : vector<16xf32>
      %mul3A_402 = arith.mulf %div3A_231, %gather3A_392 : vector<16xf32>
      %add3A_403 = arith.addf %mul3A_401, %mul3A_402 : vector<16xf32>
      %mul3A_404 = arith.mulf %div3A_237, %gather3A_396 : vector<16xf32>
      %add3A_405 = arith.addf %add3A_403, %mul3A_404 : vector<16xf32>
      %mul3A_406 = arith.mulf %div3A_242, %gather3A_400 : vector<16xf32>
      %add3A_407 = arith.addf %add3A_405, %mul3A_406 : vector<16xf32>
      %swap3A_408 = arith.constant 80 : index
      %swap3A_409 = tpu.vector_load %arg11[%swap3A_408] {strides = array<i32>} : memref<256xf32, #tpu.memory_space<vmem>>, vector<16xf32>,
      tpu.vector_store %arg11[%swap3A_408], %add3A_407 {strides = array<i32>} : memref<256xf32, #tpu.memory_space<vmem>>, vector<16xf32>,
      %add3A_410 = arith.constant 96 : i32
      %add3A_411 = vector.broadcast %add3A_410 : i32 to vector<16xi32>
      %add3A_412 = arith.addi %add3A_411, %iota3A : vector<16xi32>
      %mul3A_413 = arith.constant 4 : i32
      %mul3A_414 = vector.broadcast %mul3A_413 : i32 to vector<16xi32>
      %mul3A_415 = arith.muli %add3A_412, %mul3A_414 : vector<16xi32>
      %gather3A_416 = tpu.vector_load_idx %arg10[%mul3A_415] : memref<1024xf32, #tpu.memory_space<vmem>>[vector<16xi32>], vector<16xf32>,
      %add3A_417 = arith.constant 1 : i32
      %add3A_418 = vector.broadcast %add3A_417 : i32 to vector<16xi32>
      %add3A_419 = arith.addi %mul3A_415, %add3A_418 : vector<16xi32>
      %gather3A_420 = tpu.vector_load_idx %arg10[%add3A_419] : memref<1024xf32, #tpu.memory_space<vmem>>[vector<16xi32>], vector<16xf32>,
      %add3A_421 = arith.constant 2 : i32
      %add3A_422 = vector.broadcast %add3A_421 : i32 to vector<16xi32>
      %add3A_423 = arith.addi %mul3A_415, %add3A_422 : vector<16xi32>
      %gather3A_424 = tpu.vector_load_idx %arg10[%add3A_423] : memref<1024xf32, #tpu.memory_space<vmem>>[vector<16xi32>], vector<16xf32>,
      %add3A_425 = arith.constant 3 : i32
      %add3A_426 = vector.broadcast %add3A_425 : i32 to vector<16xi32>
      %add3A_427 = arith.addi %mul3A_415, %add3A_426 : vector<16xi32>
      %gather3A_428 = tpu.vector_load_idx %arg10[%add3A_427] : memref<1024xf32, #tpu.memory_space<vmem>>[vector<16xi32>], vector<16xf32>,
      %mul3A_429 = arith.mulf %div3A_226, %gather3A_416 : vector<16xf32>
      %mul3A_430 = arith.mulf %div3A_231, %gather3A_420 : vector<16xf32>
      %add3A_431 = arith.addf %mul3A_429, %mul3A_430 : vector<16xf32>
      %mul3A_432 = arith.mulf %div3A_237, %gather3A_424 : vector<16xf32>
      %add3A_433 = arith.addf %add3A_431, %mul3A_432 : vector<16xf32>
      %mul3A_434 = arith.mulf %div3A_242, %gather3A_428 : vector<16xf32>
      %add3A_435 = arith.addf %add3A_433, %mul3A_434 : vector<16xf32>
      %swap3A_436 = arith.constant 96 : index
      %swap3A_437 = tpu.vector_load %arg11[%swap3A_436] {strides = array<i32>} : memref<256xf32, #tpu.memory_space<vmem>>, vector<16xf32>,
      tpu.vector_store %arg11[%swap3A_436], %add3A_435 {strides = array<i32>} : memref<256xf32, #tpu.memory_space<vmem>>, vector<16xf32>,
      %add3A_438 = arith.constant 112 : i32
      %add3A_439 = vector.broadcast %add3A_438 : i32 to vector<16xi32>
      %add3A_440 = arith.addi %add3A_439, %iota3A : vector<16xi32>
      %mul3A_441 = arith.constant 4 : i32
      %mul3A_442 = vector.broadcast %mul3A_441 : i32 to vector<16xi32>
      %mul3A_443 = arith.muli %add3A_440, %mul3A_442 : vector<16xi32>
      %gather3A_444 = tpu.vector_load_idx %arg10[%mul3A_443] : memref<1024xf32, #tpu.memory_space<vmem>>[vector<16xi32>], vector<16xf32>,
      %add3A_445 = arith.constant 1 : i32
      %add3A_446 = vector.broadcast %add3A_445 : i32 to vector<16xi32>
      %add3A_447 = arith.addi %mul3A_443, %add3A_446 : vector<16xi32>
      %gather3A_448 = tpu.vector_load_idx %arg10[%add3A_447] : memref<1024xf32, #tpu.memory_space<vmem>>[vector<16xi32>], vector<16xf32>,
      %add3A_449 = arith.constant 2 : i32
      %add3A_450 = vector.broadcast %add3A_449 : i32 to vector<16xi32>
      %add3A_451 = arith.addi %mul3A_443, %add3A_450 : vector<16xi32>
      %gather3A_452 = tpu.vector_load_idx %arg10[%add3A_451] : memref<1024xf32, #tpu.memory_space<vmem>>[vector<16xi32>], vector<16xf32>,
      %add3A_453 = arith.constant 3 : i32
      %add3A_454 = vector.broadcast %add3A_453 : i32 to vector<16xi32>
      %add3A_455 = arith.addi %mul3A_443, %add3A_454 : vector<16xi32>
      %gather3A_456 = tpu.vector_load_idx %arg10[%add3A_455] : memref<1024xf32, #tpu.memory_space<vmem>>[vector<16xi32>], vector<16xf32>,
      %mul3A_457 = arith.mulf %div3A_226, %gather3A_444 : vector<16xf32>
      %mul3A_458 = arith.mulf %div3A_231, %gather3A_448 : vector<16xf32>
      %add3A_459 = arith.addf %mul3A_457, %mul3A_458 : vector<16xf32>
      %mul3A_460 = arith.mulf %div3A_237, %gather3A_452 : vector<16xf32>
      %add3A_461 = arith.addf %add3A_459, %mul3A_460 : vector<16xf32>
      %mul3A_462 = arith.mulf %div3A_242, %gather3A_456 : vector<16xf32>
      %add3A_463 = arith.addf %add3A_461, %mul3A_462 : vector<16xf32>
      %swap3A_464 = arith.constant 112 : index
      %swap3A_465 = tpu.vector_load %arg11[%swap3A_464] {strides = array<i32>} : memref<256xf32, #tpu.memory_space<vmem>>, vector<16xf32>,
      tpu.vector_store %arg11[%swap3A_464], %add3A_463 {strides = array<i32>} : memref<256xf32, #tpu.memory_space<vmem>>, vector<16xf32>,
      %add3A_466 = arith.constant 128 : i32
      %add3A_467 = vector.broadcast %add3A_466 : i32 to vector<16xi32>
      %add3A_468 = arith.addi %add3A_467, %iota3A : vector<16xi32>
      %mul3A_469 = arith.constant 4 : i32
      %mul3A_470 = vector.broadcast %mul3A_469 : i32 to vector<16xi32>
      %mul3A_471 = arith.muli %add3A_468, %mul3A_470 : vector<16xi32>
      %gather3A_472 = tpu.vector_load_idx %arg10[%mul3A_471] : memref<1024xf32, #tpu.memory_space<vmem>>[vector<16xi32>], vector<16xf32>,
      %add3A_473 = arith.constant 1 : i32
      %add3A_474 = vector.broadcast %add3A_473 : i32 to vector<16xi32>
      %add3A_475 = arith.addi %mul3A_471, %add3A_474 : vector<16xi32>
      %gather3A_476 = tpu.vector_load_idx %arg10[%add3A_475] : memref<1024xf32, #tpu.memory_space<vmem>>[vector<16xi32>], vector<16xf32>,
      %add3A_477 = arith.constant 2 : i32
      %add3A_478 = vector.broadcast %add3A_477 : i32 to vector<16xi32>
      %add3A_479 = arith.addi %mul3A_471, %add3A_478 : vector<16xi32>
      %gather3A_480 = tpu.vector_load_idx %arg10[%add3A_479] : memref<1024xf32, #tpu.memory_space<vmem>>[vector<16xi32>], vector<16xf32>,
      %add3A_481 = arith.constant 3 : i32
      %add3A_482 = vector.broadcast %add3A_481 : i32 to vector<16xi32>
      %add3A_483 = arith.addi %mul3A_471, %add3A_482 : vector<16xi32>
      %gather3A_484 = tpu.vector_load_idx %arg10[%add3A_483] : memref<1024xf32, #tpu.memory_space<vmem>>[vector<16xi32>], vector<16xf32>,
      %mul3A_485 = arith.mulf %div3A_226, %gather3A_472 : vector<16xf32>
      %mul3A_486 = arith.mulf %div3A_231, %gather3A_476 : vector<16xf32>
      %add3A_487 = arith.addf %mul3A_485, %mul3A_486 : vector<16xf32>
      %mul3A_488 = arith.mulf %div3A_237, %gather3A_480 : vector<16xf32>
      %add3A_489 = arith.addf %add3A_487, %mul3A_488 : vector<16xf32>
      %mul3A_490 = arith.mulf %div3A_242, %gather3A_484 : vector<16xf32>
      %add3A_491 = arith.addf %add3A_489, %mul3A_490 : vector<16xf32>
      %swap3A_492 = arith.constant 128 : index
      %swap3A_493 = tpu.vector_load %arg11[%swap3A_492] {strides = array<i32>} : memref<256xf32, #tpu.memory_space<vmem>>, vector<16xf32>,
      tpu.vector_store %arg11[%swap3A_492], %add3A_491 {strides = array<i32>} : memref<256xf32, #tpu.memory_space<vmem>>, vector<16xf32>,
      %add3A_494 = arith.constant 144 : i32
      %add3A_495 = vector.broadcast %add3A_494 : i32 to vector<16xi32>
      %add3A_496 = arith.addi %add3A_495, %iota3A : vector<16xi32>
      %mul3A_497 = arith.constant 4 : i32
      %mul3A_498 = vector.broadcast %mul3A_497 : i32 to vector<16xi32>
      %mul3A_499 = arith.muli %add3A_496, %mul3A_498 : vector<16xi32>
      %gather3A_500 = tpu.vector_load_idx %arg10[%mul3A_499] : memref<1024xf32, #tpu.memory_space<vmem>>[vector<16xi32>], vector<16xf32>,
      %add3A_501 = arith.constant 1 : i32
      %add3A_502 = vector.broadcast %add3A_501 : i32 to vector<16xi32>
      %add3A_503 = arith.addi %mul3A_499, %add3A_502 : vector<16xi32>
      %gather3A_504 = tpu.vector_load_idx %arg10[%add3A_503] : memref<1024xf32, #tpu.memory_space<vmem>>[vector<16xi32>], vector<16xf32>,
      %add3A_505 = arith.constant 2 : i32
      %add3A_506 = vector.broadcast %add3A_505 : i32 to vector<16xi32>
      %add3A_507 = arith.addi %mul3A_499, %add3A_506 : vector<16xi32>
      %gather3A_508 = tpu.vector_load_idx %arg10[%add3A_507] : memref<1024xf32, #tpu.memory_space<vmem>>[vector<16xi32>], vector<16xf32>,
      %add3A_509 = arith.constant 3 : i32
      %add3A_510 = vector.broadcast %add3A_509 : i32 to vector<16xi32>
      %add3A_511 = arith.addi %mul3A_499, %add3A_510 : vector<16xi32>
      %gather3A_512 = tpu.vector_load_idx %arg10[%add3A_511] : memref<1024xf32, #tpu.memory_space<vmem>>[vector<16xi32>], vector<16xf32>,
      %mul3A_513 = arith.mulf %div3A_226, %gather3A_500 : vector<16xf32>
      %mul3A_514 = arith.mulf %div3A_231, %gather3A_504 : vector<16xf32>
      %add3A_515 = arith.addf %mul3A_513, %mul3A_514 : vector<16xf32>
      %mul3A_516 = arith.mulf %div3A_237, %gather3A_508 : vector<16xf32>
      %add3A_517 = arith.addf %add3A_515, %mul3A_516 : vector<16xf32>
      %mul3A_518 = arith.mulf %div3A_242, %gather3A_512 : vector<16xf32>
      %add3A_519 = arith.addf %add3A_517, %mul3A_518 : vector<16xf32>
      %swap3A_520 = arith.constant 144 : index
      %swap3A_521 = tpu.vector_load %arg11[%swap3A_520] {strides = array<i32>} : memref<256xf32, #tpu.memory_space<vmem>>, vector<16xf32>,
      tpu.vector_store %arg11[%swap3A_520], %add3A_519 {strides = array<i32>} : memref<256xf32, #tpu.memory_space<vmem>>, vector<16xf32>,
      %add3A_522 = arith.constant 160 : i32
      %add3A_523 = vector.broadcast %add3A_522 : i32 to vector<16xi32>
      %add3A_524 = arith.addi %add3A_523, %iota3A : vector<16xi32>
      %mul3A_525 = arith.constant 4 : i32
      %mul3A_526 = vector.broadcast %mul3A_525 : i32 to vector<16xi32>
      %mul3A_527 = arith.muli %add3A_524, %mul3A_526 : vector<16xi32>
      %gather3A_528 = tpu.vector_load_idx %arg10[%mul3A_527] : memref<1024xf32, #tpu.memory_space<vmem>>[vector<16xi32>], vector<16xf32>,
      %add3A_529 = arith.constant 1 : i32
      %add3A_530 = vector.broadcast %add3A_529 : i32 to vector<16xi32>
      %add3A_531 = arith.addi %mul3A_527, %add3A_530 : vector<16xi32>
      %gather3A_532 = tpu.vector_load_idx %arg10[%add3A_531] : memref<1024xf32, #tpu.memory_space<vmem>>[vector<16xi32>], vector<16xf32>,
      %add3A_533 = arith.constant 2 : i32
      %add3A_534 = vector.broadcast %add3A_533 : i32 to vector<16xi32>
      %add3A_535 = arith.addi %mul3A_527, %add3A_534 : vector<16xi32>
      %gather3A_536 = tpu.vector_load_idx %arg10[%add3A_535] : memref<1024xf32, #tpu.memory_space<vmem>>[vector<16xi32>], vector<16xf32>,
      %add3A_537 = arith.constant 3 : i32
      %add3A_538 = vector.broadcast %add3A_537 : i32 to vector<16xi32>
      %add3A_539 = arith.addi %mul3A_527, %add3A_538 : vector<16xi32>
      %gather3A_540 = tpu.vector_load_idx %arg10[%add3A_539] : memref<1024xf32, #tpu.memory_space<vmem>>[vector<16xi32>], vector<16xf32>,
      %mul3A_541 = arith.mulf %div3A_226, %gather3A_528 : vector<16xf32>
      %mul3A_542 = arith.mulf %div3A_231, %gather3A_532 : vector<16xf32>
      %add3A_543 = arith.addf %mul3A_541, %mul3A_542 : vector<16xf32>
      %mul3A_544 = arith.mulf %div3A_237, %gather3A_536 : vector<16xf32>
      %add3A_545 = arith.addf %add3A_543, %mul3A_544 : vector<16xf32>
      %mul3A_546 = arith.mulf %div3A_242, %gather3A_540 : vector<16xf32>
      %add3A_547 = arith.addf %add3A_545, %mul3A_546 : vector<16xf32>
      %swap3A_548 = arith.constant 160 : index
      %swap3A_549 = tpu.vector_load %arg11[%swap3A_548] {strides = array<i32>} : memref<256xf32, #tpu.memory_space<vmem>>, vector<16xf32>,
      tpu.vector_store %arg11[%swap3A_548], %add3A_547 {strides = array<i32>} : memref<256xf32, #tpu.memory_space<vmem>>, vector<16xf32>,
      %add3A_550 = arith.constant 176 : i32
      %add3A_551 = vector.broadcast %add3A_550 : i32 to vector<16xi32>
      %add3A_552 = arith.addi %add3A_551, %iota3A : vector<16xi32>
      %mul3A_553 = arith.constant 4 : i32
      %mul3A_554 = vector.broadcast %mul3A_553 : i32 to vector<16xi32>
      %mul3A_555 = arith.muli %add3A_552, %mul3A_554 : vector<16xi32>
      %gather3A_556 = tpu.vector_load_idx %arg10[%mul3A_555] : memref<1024xf32, #tpu.memory_space<vmem>>[vector<16xi32>], vector<16xf32>,
      %add3A_557 = arith.constant 1 : i32
      %add3A_558 = vector.broadcast %add3A_557 : i32 to vector<16xi32>
      %add3A_559 = arith.addi %mul3A_555, %add3A_558 : vector<16xi32>
      %gather3A_560 = tpu.vector_load_idx %arg10[%add3A_559] : memref<1024xf32, #tpu.memory_space<vmem>>[vector<16xi32>], vector<16xf32>,
      %add3A_561 = arith.constant 2 : i32
      %add3A_562 = vector.broadcast %add3A_561 : i32 to vector<16xi32>
      %add3A_563 = arith.addi %mul3A_555, %add3A_562 : vector<16xi32>
      %gather3A_564 = tpu.vector_load_idx %arg10[%add3A_563] : memref<1024xf32, #tpu.memory_space<vmem>>[vector<16xi32>], vector<16xf32>,
      %add3A_565 = arith.constant 3 : i32
      %add3A_566 = vector.broadcast %add3A_565 : i32 to vector<16xi32>
      %add3A_567 = arith.addi %mul3A_555, %add3A_566 : vector<16xi32>
      %gather3A_568 = tpu.vector_load_idx %arg10[%add3A_567] : memref<1024xf32, #tpu.memory_space<vmem>>[vector<16xi32>], vector<16xf32>,
      %mul3A_569 = arith.mulf %div3A_226, %gather3A_556 : vector<16xf32>
      %mul3A_570 = arith.mulf %div3A_231, %gather3A_560 : vector<16xf32>
      %add3A_571 = arith.addf %mul3A_569, %mul3A_570 : vector<16xf32>
      %mul3A_572 = arith.mulf %div3A_237, %gather3A_564 : vector<16xf32>
      %add3A_573 = arith.addf %add3A_571, %mul3A_572 : vector<16xf32>
      %mul3A_574 = arith.mulf %div3A_242, %gather3A_568 : vector<16xf32>
      %add3A_575 = arith.addf %add3A_573, %mul3A_574 : vector<16xf32>
      %swap3A_576 = arith.constant 176 : index
      %swap3A_577 = tpu.vector_load %arg11[%swap3A_576] {strides = array<i32>} : memref<256xf32, #tpu.memory_space<vmem>>, vector<16xf32>,
      tpu.vector_store %arg11[%swap3A_576], %add3A_575 {strides = array<i32>} : memref<256xf32, #tpu.memory_space<vmem>>, vector<16xf32>,
      %add3A_578 = arith.constant 192 : i32
      %add3A_579 = vector.broadcast %add3A_578 : i32 to vector<16xi32>
      %add3A_580 = arith.addi %add3A_579, %iota3A : vector<16xi32>
      %mul3A_581 = arith.constant 4 : i32
      %mul3A_582 = vector.broadcast %mul3A_581 : i32 to vector<16xi32>
      %mul3A_583 = arith.muli %add3A_580, %mul3A_582 : vector<16xi32>
      %gather3A_584 = tpu.vector_load_idx %arg10[%mul3A_583] : memref<1024xf32, #tpu.memory_space<vmem>>[vector<16xi32>], vector<16xf32>,
      %add3A_585 = arith.constant 1 : i32
      %add3A_586 = vector.broadcast %add3A_585 : i32 to vector<16xi32>
      %add3A_587 = arith.addi %mul3A_583, %add3A_586 : vector<16xi32>
      %gather3A_588 = tpu.vector_load_idx %arg10[%add3A_587] : memref<1024xf32, #tpu.memory_space<vmem>>[vector<16xi32>], vector<16xf32>,
      %add3A_589 = arith.constant 2 : i32
      %add3A_590 = vector.broadcast %add3A_589 : i32 to vector<16xi32>
      %add3A_591 = arith.addi %mul3A_583, %add3A_590 : vector<16xi32>
      %gather3A_592 = tpu.vector_load_idx %arg10[%add3A_591] : memref<1024xf32, #tpu.memory_space<vmem>>[vector<16xi32>], vector<16xf32>,
      %add3A_593 = arith.constant 3 : i32
      %add3A_594 = vector.broadcast %add3A_593 : i32 to vector<16xi32>
      %add3A_595 = arith.addi %mul3A_583, %add3A_594 : vector<16xi32>
      %gather3A_596 = tpu.vector_load_idx %arg10[%add3A_595] : memref<1024xf32, #tpu.memory_space<vmem>>[vector<16xi32>], vector<16xf32>,
      %mul3A_597 = arith.mulf %div3A_226, %gather3A_584 : vector<16xf32>
      %mul3A_598 = arith.mulf %div3A_231, %gather3A_588 : vector<16xf32>
      %add3A_599 = arith.addf %mul3A_597, %mul3A_598 : vector<16xf32>
      %mul3A_600 = arith.mulf %div3A_237, %gather3A_592 : vector<16xf32>
      %add3A_601 = arith.addf %add3A_599, %mul3A_600 : vector<16xf32>
      %mul3A_602 = arith.mulf %div3A_242, %gather3A_596 : vector<16xf32>
      %add3A_603 = arith.addf %add3A_601, %mul3A_602 : vector<16xf32>
      %swap3A_604 = arith.constant 192 : index
      %swap3A_605 = tpu.vector_load %arg11[%swap3A_604] {strides = array<i32>} : memref<256xf32, #tpu.memory_space<vmem>>, vector<16xf32>,
      tpu.vector_store %arg11[%swap3A_604], %add3A_603 {strides = array<i32>} : memref<256xf32, #tpu.memory_space<vmem>>, vector<16xf32>,
      %add3A_606 = arith.constant 208 : i32
      %add3A_607 = vector.broadcast %add3A_606 : i32 to vector<16xi32>
      %add3A_608 = arith.addi %add3A_607, %iota3A : vector<16xi32>
      %mul3A_609 = arith.constant 4 : i32
      %mul3A_610 = vector.broadcast %mul3A_609 : i32 to vector<16xi32>
      %mul3A_611 = arith.muli %add3A_608, %mul3A_610 : vector<16xi32>
      %gather3A_612 = tpu.vector_load_idx %arg10[%mul3A_611] : memref<1024xf32, #tpu.memory_space<vmem>>[vector<16xi32>], vector<16xf32>,
      %add3A_613 = arith.constant 1 : i32
      %add3A_614 = vector.broadcast %add3A_613 : i32 to vector<16xi32>
      %add3A_615 = arith.addi %mul3A_611, %add3A_614 : vector<16xi32>
      %gather3A_616 = tpu.vector_load_idx %arg10[%add3A_615] : memref<1024xf32, #tpu.memory_space<vmem>>[vector<16xi32>], vector<16xf32>,
      %add3A_617 = arith.constant 2 : i32
      %add3A_618 = vector.broadcast %add3A_617 : i32 to vector<16xi32>
      %add3A_619 = arith.addi %mul3A_611, %add3A_618 : vector<16xi32>
      %gather3A_620 = tpu.vector_load_idx %arg10[%add3A_619] : memref<1024xf32, #tpu.memory_space<vmem>>[vector<16xi32>], vector<16xf32>,
      %add3A_621 = arith.constant 3 : i32
      %add3A_622 = vector.broadcast %add3A_621 : i32 to vector<16xi32>
      %add3A_623 = arith.addi %mul3A_611, %add3A_622 : vector<16xi32>
      %gather3A_624 = tpu.vector_load_idx %arg10[%add3A_623] : memref<1024xf32, #tpu.memory_space<vmem>>[vector<16xi32>], vector<16xf32>,
      %mul3A_625 = arith.mulf %div3A_226, %gather3A_612 : vector<16xf32>
      %mul3A_626 = arith.mulf %div3A_231, %gather3A_616 : vector<16xf32>
      %add3A_627 = arith.addf %mul3A_625, %mul3A_626 : vector<16xf32>
      %mul3A_628 = arith.mulf %div3A_237, %gather3A_620 : vector<16xf32>
      %add3A_629 = arith.addf %add3A_627, %mul3A_628 : vector<16xf32>
      %mul3A_630 = arith.mulf %div3A_242, %gather3A_624 : vector<16xf32>
      %add3A_631 = arith.addf %add3A_629, %mul3A_630 : vector<16xf32>
      %swap3A_632 = arith.constant 208 : index
      %swap3A_633 = tpu.vector_load %arg11[%swap3A_632] {strides = array<i32>} : memref<256xf32, #tpu.memory_space<vmem>>, vector<16xf32>,
      tpu.vector_store %arg11[%swap3A_632], %add3A_631 {strides = array<i32>} : memref<256xf32, #tpu.memory_space<vmem>>, vector<16xf32>,
      %add3A_634 = arith.constant 224 : i32
      %add3A_635 = vector.broadcast %add3A_634 : i32 to vector<16xi32>
      %add3A_636 = arith.addi %add3A_635, %iota3A : vector<16xi32>
      %mul3A_637 = arith.constant 4 : i32
      %mul3A_638 = vector.broadcast %mul3A_637 : i32 to vector<16xi32>
      %mul3A_639 = arith.muli %add3A_636, %mul3A_638 : vector<16xi32>
      %gather3A_640 = tpu.vector_load_idx %arg10[%mul3A_639] : memref<1024xf32, #tpu.memory_space<vmem>>[vector<16xi32>], vector<16xf32>,
      %add3A_641 = arith.constant 1 : i32
      %add3A_642 = vector.broadcast %add3A_641 : i32 to vector<16xi32>
      %add3A_643 = arith.addi %mul3A_639, %add3A_642 : vector<16xi32>
      %gather3A_644 = tpu.vector_load_idx %arg10[%add3A_643] : memref<1024xf32, #tpu.memory_space<vmem>>[vector<16xi32>], vector<16xf32>,
      %add3A_645 = arith.constant 2 : i32
      %add3A_646 = vector.broadcast %add3A_645 : i32 to vector<16xi32>
      %add3A_647 = arith.addi %mul3A_639, %add3A_646 : vector<16xi32>
      %gather3A_648 = tpu.vector_load_idx %arg10[%add3A_647] : memref<1024xf32, #tpu.memory_space<vmem>>[vector<16xi32>], vector<16xf32>,
      %add3A_649 = arith.constant 3 : i32
      %add3A_650 = vector.broadcast %add3A_649 : i32 to vector<16xi32>
      %add3A_651 = arith.addi %mul3A_639, %add3A_650 : vector<16xi32>
      %gather3A_652 = tpu.vector_load_idx %arg10[%add3A_651] : memref<1024xf32, #tpu.memory_space<vmem>>[vector<16xi32>], vector<16xf32>,
      %mul3A_653 = arith.mulf %div3A_226, %gather3A_640 : vector<16xf32>
      %mul3A_654 = arith.mulf %div3A_231, %gather3A_644 : vector<16xf32>
      %add3A_655 = arith.addf %mul3A_653, %mul3A_654 : vector<16xf32>
      %mul3A_656 = arith.mulf %div3A_237, %gather3A_648 : vector<16xf32>
      %add3A_657 = arith.addf %add3A_655, %mul3A_656 : vector<16xf32>
      %mul3A_658 = arith.mulf %div3A_242, %gather3A_652 : vector<16xf32>
      %add3A_659 = arith.addf %add3A_657, %mul3A_658 : vector<16xf32>
      %swap3A_660 = arith.constant 224 : index
      %swap3A_661 = tpu.vector_load %arg11[%swap3A_660] {strides = array<i32>} : memref<256xf32, #tpu.memory_space<vmem>>, vector<16xf32>,
      tpu.vector_store %arg11[%swap3A_660], %add3A_659 {strides = array<i32>} : memref<256xf32, #tpu.memory_space<vmem>>, vector<16xf32>,
      %add3A_662 = arith.constant 240 : i32
      %add3A_663 = vector.broadcast %add3A_662 : i32 to vector<16xi32>
      %add3A_664 = arith.addi %add3A_663, %iota3A : vector<16xi32>
      %mul3A_665 = arith.constant 4 : i32
      %mul3A_666 = vector.broadcast %mul3A_665 : i32 to vector<16xi32>
      %mul3A_667 = arith.muli %add3A_664, %mul3A_666 : vector<16xi32>
      %gather3A_668 = tpu.vector_load_idx %arg10[%mul3A_667] : memref<1024xf32, #tpu.memory_space<vmem>>[vector<16xi32>], vector<16xf32>,
      %add3A_669 = arith.constant 1 : i32
      %add3A_670 = vector.broadcast %add3A_669 : i32 to vector<16xi32>
      %add3A_671 = arith.addi %mul3A_667, %add3A_670 : vector<16xi32>
      %gather3A_672 = tpu.vector_load_idx %arg10[%add3A_671] : memref<1024xf32, #tpu.memory_space<vmem>>[vector<16xi32>], vector<16xf32>,
      %add3A_673 = arith.constant 2 : i32
      %add3A_674 = vector.broadcast %add3A_673 : i32 to vector<16xi32>
      %add3A_675 = arith.addi %mul3A_667, %add3A_674 : vector<16xi32>
      %gather3A_676 = tpu.vector_load_idx %arg10[%add3A_675] : memref<1024xf32, #tpu.memory_space<vmem>>[vector<16xi32>], vector<16xf32>,
      %add3A_677 = arith.constant 3 : i32
      %add3A_678 = vector.broadcast %add3A_677 : i32 to vector<16xi32>
      %add3A_679 = arith.addi %mul3A_667, %add3A_678 : vector<16xi32>
      %gather3A_680 = tpu.vector_load_idx %arg10[%add3A_679] : memref<1024xf32, #tpu.memory_space<vmem>>[vector<16xi32>], vector<16xf32>,
      %mul3A_681 = arith.mulf %div3A_226, %gather3A_668 : vector<16xf32>
      %mul3A_682 = arith.mulf %div3A_231, %gather3A_672 : vector<16xf32>
      %add3A_683 = arith.addf %mul3A_681, %mul3A_682 : vector<16xf32>
      %mul3A_684 = arith.mulf %div3A_237, %gather3A_676 : vector<16xf32>
      %add3A_685 = arith.addf %add3A_683, %mul3A_684 : vector<16xf32>
      %mul3A_686 = arith.mulf %div3A_242, %gather3A_680 : vector<16xf32>
      %add3A_687 = arith.addf %add3A_685, %mul3A_686 : vector<16xf32>
      %swap3A_688 = arith.constant 240 : index
      %swap3A_689 = tpu.vector_load %arg11[%swap3A_688] {strides = array<i32>} : memref<256xf32, #tpu.memory_space<vmem>>, vector<16xf32>,
      tpu.vector_store %arg11[%swap3A_688], %add3A_687 {strides = array<i32>} : memref<256xf32, #tpu.memory_space<vmem>>, vector<16xf32>,
      %run_scoped3A = arith.constant 0 : i32
      "tpu.region"() ({
        %run_scoped3A_690 = tpu.sem_alloc : memref<!tpu.dma_semaphore, #tpu.memory_space<semaphore_mem>>
        %dma_start3A = arith.constant 0 : i32
        %dma_start3A_691 = tpu.memref_slice %arg6[%add3A, %run_scoped3A, %dma_start3A] : memref<16x1x256xf32, #tpu.memory_space<hbm>> -> memref<1x1x256xf32, #tpu.memory_space<hbm>>
        %dma_start3A_692 = tpu.memref_squeeze %dma_start3A_691 : memref<1x1x256xf32, #tpu.memory_space<hbm>> -> memref<256xf32, #tpu.memory_space<hbm>>
        %dma_start3A_693 = arith.constant 0 : i32
        %dma_start3A_694 = tpu.memref_slice %arg6[%add3A, %run_scoped3A, %dma_start3A_693] : memref<16x1x256xf32, #tpu.memory_space<hbm>> -> memref<1x1x256xf32, #tpu.memory_space<hbm>>
        %dma_start3A_695 = tpu.memref_squeeze %dma_start3A_694 : memref<1x1x256xf32, #tpu.memory_space<hbm>> -> memref<256xf32, #tpu.memory_space<hbm>>
        tpu.enqueue_dma source(%arg11 : memref<256xf32, #tpu.memory_space<vmem>>) target(%dma_start3A_695 : memref<256xf32, #tpu.memory_space<hbm>>) target_semaphore(%run_scoped3A_690 : memref<!tpu.dma_semaphore, #tpu.memory_space<semaphore_mem>>)
        %dma_wait3A = arith.constant 0 : i32
        %dma_wait3A_696 = tpu.memref_slice %arg6[%add3A, %run_scoped3A, %dma_wait3A] : memref<16x1x256xf32, #tpu.memory_space<hbm>> -> memref<1x1x256xf32, #tpu.memory_space<hbm>>
        %dma_wait3A_697 = tpu.memref_squeeze %dma_wait3A_696 : memref<1x1x256xf32, #tpu.memory_space<hbm>> -> memref<256xf32, #tpu.memory_space<hbm>>
        %dma_wait3A_698 = arith.constant 0 : i32
        %dma_wait3A_699 = tpu.memref_slice %arg6[%add3A, %run_scoped3A, %dma_wait3A_698] : memref<16x1x256xf32, #tpu.memory_space<hbm>> -> memref<1x1x256xf32, #tpu.memory_space<hbm>>
        %dma_wait3A_700 = tpu.memref_squeeze %dma_wait3A_699 : memref<1x1x256xf32, #tpu.memory_space<hbm>> -> memref<256xf32, #tpu.memory_space<hbm>>
        tpu.wait_dma2 semaphore(%run_scoped3A_690 : memref<!tpu.dma_semaphore, #tpu.memory_space<semaphore_mem>>) src(%arg11 : memref<256xf32, #tpu.memory_space<vmem>>) dst(%dma_wait3A_700 : memref<256xf32, #tpu.memory_space<hbm>>)
        tpu.yield
      }) : () -> ()
    } else {
    }
    return
  }
}

module attributes {stable_mosaic.version = 14 : i64} {
  func.func @_tc_stream_body(%arg0: i32, %arg1: memref<16xi32, #tpu.memory_space<smem>>, %arg2: memref<1x1x256xf32, #tpu.memory_space<vmem>>, %arg3: memref<1x8192x256xf32, #tpu.memory_space<vmem>>, %arg4: memref<1x8192x256xf32, #tpu.memory_space<vmem>>) attributes {dimension_semantics = [#tpu.dimension_semantics<parallel>], iteration_bounds = array<i64: 16>, scalar_prefetch = 1 : i64, scratch_operands = 0 : i64, tpu.core_type = #tpu.core_type<tc>, window_params = [{transform_indices = @transform_0, window_bounds = array<i64: 1, 1, 256>}, {transform_indices = @transform_1, window_bounds = array<i64: 1, 8192, 256>}, {transform_indices = @transform_2, window_bounds = array<i64: 1, 8192, 256>}]} {
    %iota3A = tpu.iota {dimensions = array<i32: 0>} : vector<8192x1xi32>
    %get3A = arith.index_cast %arg0 : i32 to index
    %get3A_0 = memref.load %arg1[%get3A] : memref<16xi32, #tpu.memory_space<smem>>
    %lt3A = vector.broadcast %get3A_0 : i32 to vector<8192x1xi32>
    %lt3A_1 = arith.cmpi slt, %iota3A, %lt3A : vector<8192x1xi32>
    %get3A_2 = arith.constant 0 : index
    %get3A_3 = arith.constant 0 : index
    %get3A_4 = arith.constant 0 : index
    %get3A_5 = vector.load %arg3[%get3A_2, %get3A_3, %get3A_4] : memref<1x8192x256xf32, #tpu.memory_space<vmem>>, vector<1x8192x256xf32>
    %get3A_6 = vector.shape_cast %get3A_5 : vector<1x8192x256xf32> to vector<8192x256xf32>
    %get3A_7 = arith.constant 0 : index
    %get3A_8 = arith.constant 0 : index
    %get3A_9 = arith.constant 0 : index
    %get3A_10 = vector.load %arg2[%get3A_7, %get3A_8, %get3A_9] : memref<1x1x256xf32, #tpu.memory_space<vmem>>, vector<1x1x256xf32>
    %get3A_11 = vector.shape_cast %get3A_10 : vector<1x1x256xf32> to vector<1x256xf32>
    %jit3A = arith.constant 0.000000e+00 : f32
    %broadcast_in_dim3A = vector.shape_cast %lt3A_1 : vector<8192x1xi1> to vector<8192x1xi1>
    %broadcast_in_dim3A_12 = vector.broadcast %broadcast_in_dim3A : vector<8192x1xi1> to vector<8192x256xi1>
    %broadcast_in_dim3A_13 = vector.shape_cast %get3A_11 : vector<1x256xf32> to vector<1x256xf32>
    %broadcast_in_dim3A_14 = vector.broadcast %broadcast_in_dim3A_13 : vector<1x256xf32> to vector<8192x256xf32>
    %broadcast_in_dim3A_15 = vector.broadcast %jit3A : f32 to vector<8192x256xf32>
    %select_n3A = arith.select %broadcast_in_dim3A_12, %broadcast_in_dim3A_14, %broadcast_in_dim3A_15 : vector<8192x256xi1>, vector<8192x256xf32>
    %add3A = arith.addf %get3A_6, %select_n3A : vector<8192x256xf32>
    %swap3A = arith.constant 0 : index
    %swap3A_16 = arith.constant 0 : index
    %swap3A_17 = arith.constant 0 : index
    %swap3A_18 = vector.load %arg4[%swap3A, %swap3A_16, %swap3A_17] : memref<1x8192x256xf32, #tpu.memory_space<vmem>>, vector<1x8192x256xf32>
    %swap3A_19 = vector.shape_cast %swap3A_18 : vector<1x8192x256xf32> to vector<8192x256xf32>
    %swap3A_20 = vector.shape_cast %add3A : vector<8192x256xf32> to vector<1x8192x256xf32>
    tpu.vector_store %arg4[%swap3A, %swap3A_16, %swap3A_17], %swap3A_20 {strides = array<i32>} : memref<1x8192x256xf32, #tpu.memory_space<vmem>>, vector<1x8192x256xf32>,
    return
  }
  func.func @transform_0(%arg0: i32, %arg1: memref<16xi32, #tpu.memory_space<smem>>) -> (i32, i32, i32) {
    %c0_i32 = arith.constant 0 : i32
    %c0_i32_0 = arith.constant 0 : i32
    %c0_i32_1 = arith.constant 0 : i32
    return %arg0, %c0_i32, %c0_i32_0 : i32, i32, i32
  }
  func.func @transform_1(%arg0: i32, %arg1: memref<16xi32, #tpu.memory_space<smem>>) -> (i32, i32, i32) {
    %c0_i32 = arith.constant 0 : i32
    %c0_i32_0 = arith.constant 0 : i32
    %c0_i32_1 = arith.constant 0 : i32
    return %arg0, %c0_i32, %c0_i32_0 : i32, i32, i32
  }
  func.func @transform_2(%arg0: i32, %arg1: memref<16xi32, #tpu.memory_space<smem>>) -> (i32, i32, i32) {
    %c0_i32 = arith.constant 0 : i32
    %c0_i32_0 = arith.constant 0 : i32
    %c0_i32_1 = arith.constant 0 : i32
    return %arg0, %c0_i32, %c0_i32_0 : i32, i32, i32
  }
}

</mosaic_0001>

<sc_bundles>
// kernel: kernel.4.cloned.1.call-start
scs
__scs_entry_jumppad:
0x0: {  	(pc) =	sbr.rel $0x88, $3  }
0x1: {  	(tag) =	ssettag $0x0;
	lr =	simm.s32 $0x1  }
0x2: {  	[smem:$0x3F9B] =	sst lr;
	_ =	strace $0xD0000000  }
0x3: {  	_ = 	snop  }
0x4: {  	_ = 	snop  }
0x5: {  	_ = 	snop  }
0x6: {  	_ = 	snop  }
0x7: {  	_ = 	snop  }
__scs_overlays_trampoline_lowered:
0x8: {  	[smem:$0x3FAA] =	sst s0  }
0x9: {  	[smem:$0x3FAB] =	sst s1  }
0xa: {  	[smem:$0x3FAC] =	sst s2  }
0xb: {  	[smem:$0x3FAD] =	sst s3  }
0xc: {  	[smem:$0x3FAE] =	sst s4  }
0xd: {  	[smem:$0x3FAF] =	sst s5  }
0xe: {  	[smem:$0x3FB0] =	sst s6  }
0xf: {  	[smem:$0x3FB1] =	sst s7  }
0x10: {  	[smem:$0x3FB2] =	sst s8  }
0x11: {  	[smem:$0x3FB3] =	sst s9;
	s0 =	simm.s32 @!p0 $0x0  }
0x12: {  	s1 =	sld [smem:$0x3F99];
	s0 =	simm.s32 @p0 $0x1  }
0x13: {  	[smem:$0x3FB4] =	sst s0;
	s0 =	simm.s32 @!p1 $0x0  }
0x14: {  	s2 =	sld [smem:$0x3F98];
	s0 =	simm.s32 @p1 $0x1  }
0x15: {  	[smem:$0x3FB5] =	sst s0;
	s0 =	simm.s32 @!p2 $0x0  }
0x16: {  	s3 =	sld [smem:$0x3FDB];
	s0 =	simm.s32 @p2 $0x1  }
0x17: {  	s4 =	simm.s32 $0x1BF5;
	[smem:$0x3FB7] =	sst s0  }
0x18: {  	s0 =	sld [smem:$0x3F9A];
	_ =	swait.ge [sflag:s4], $0x0  }
0x19: {  	s7 =	sld [smem:$0x3F9B]  }
0x1a: {  	s8 =	sadd.s32 $0xFFFFE003, lr  }
0x1b: {  	s9 =	sadd.s32 $0xFFFFFEF7, lr;
	s5 =	simm.s32 $0xFFFFFFFF;
	p2 =	slt.u32 s8, $0xFFFFF086  }
0x1c: {  	p1 =	slt.u32 s9, $0xF7A;
	s5 =	simm.s32 @!p2 $0x0  }
0x1d: {  	s5 =	simm.s32 @p1 $0x1;
	p0 =	seq.s32 s7, s2  }
0x1e: {  	s7 =	smul.u32 @!p0 $0xF7A, s2;
	p2 =	seq.s32 @!p0 s5, $0x0  }
0x1f: {  	s9 =	smul.u32 $0xF7A, s1;
	s8 =	simm.s32 @!p0 $0x1BF5;
	p2 =	por !p2, p0  }
0x20: {  	[sflag:s8] =	ssyncset.s32 @!p0 $0xFFFFF086;
	s6 =	sadd.s32 @!p0 s3, s7;
	s7 =	simm.s32 @!p0 $0x108  }
0x21: {  	s3 =	sadd.s32 s3, s9;
	s6 =	sadd.s32 @!p0 $0x88, s6;
	s7 =	simm.s32 @p2 $0x1082  }
0x22: {  	[simem:s7], [sflag:s8] =	dma.local @!p0 [hbm:s6], $0xF7A  }
0x23: {  	s9 =	sor.u32 $0xD0000000, s2;
	s6 =	simm.s32 $0x108;
	_ =	swait.ge @!p0 [sflag:s8], $0x0  }
0x24: {  	s3 =	sadd.s32 $0x88, s3;
	s6 =	simm.s32 @!p1 $0x1082;
	[sflag:s4] =	ssyncset.s32 $0xFFFFF086  }
0x25: {  	[simem:s6], [sflag:s4] =	dma.local [hbm:s3], $0xF7A  }
0x26: {  	[smem:$0x3F9B] =	sst s1;
	(tag) =	ssettag s2;
	_ =	strace s9  }
0x27: {  	s1 =	sld [smem:$0x3FAB]  }
0x28: {  	s2 =	sld [smem:$0x3FAC]  }
0x29: {  	s4 =	sld [smem:$0x3FAE]  }
0x2a: {  	p0 =	seq.s32 s5, $0x0;
	s5 =	sld [smem:$0x3FAF]  }
0x2b: {  	s6 =	sld [smem:$0x3FB0]  }
0x2c: {  	s7 =	sld [smem:$0x3FB1]  }
0x2d: {  	s3 =	simm.s32 $0x108;
	s8 =	sld [smem:$0x3FB2]  }
0x2e: {  	s3 =	simm.s32 @!p0 $0x1082;
	s9 =	sld [smem:$0x3FB3]  }
0x2f: {  	lr =	sadd.s32 s0, s3;
	s0 =	sld [smem:$0x3FAA]  }
0x30: {  	s3 =	sld [smem:$0x3FAD]  }
0x31: {  	[smem:$0x3FB6] =	sst s10  }
0x32: {  	s10 =	sld [smem:$0x3FB4];
	_ =	sdelay $0x3  }
0x33: {  	p0 =	seq.s32 s10, $0x1;
	s10 =	sld [smem:$0x3FB6];
	_ =	sdelay $0x3  }
0x34: {  	[smem:$0x3FB6] =	sst s10  }
0x35: {  	s10 =	sld [smem:$0x3FB5];
	_ =	sdelay $0x3  }
0x36: {  	p1 =	seq.s32 s10, $0x1;
	s10 =	sld [smem:$0x3FB6];
	_ =	sdelay $0x3  }
0x37: {  	[smem:$0x3FB6] =	sst s10  }
0x38: {  	s10 =	sld [smem:$0x3FB7]  }
0x39: {  	_ = 	snop;
	(pc) =	sbr.ind lr, $3  }
0x3a: {  	_ = 	snop  }
0x3b: {  	_ = 	snop  }
0x3c: {  	p2 =	seq.s32 s10, $0x1;
	s10 =	sld [smem:$0x3FB6]  }
0x3d: {  	_ =	shalt  }
0x3e: {  	_ =	shalt  }
0x3f: {  	_ =	shalt  }
0x40: {  	_ =	shalt  }
0x41: {  	_ =	shalt  }
0x42: {  	_ =	shalt  }
0x43: {  	_ =	shalt  }
0x44: {  	_ =	shalt  }
0x45: {  	_ =	shalt  }
0x46: {  	_ =	shalt  }
0x47: {  	_ =	shalt  }
0x48: {  	_ =	shalt  }
0x49: {  	_ =	shalt  }
0x4a: {  	_ =	shalt  }
0x4b: {  	_ =	shalt  }
0x4c: {  	_ =	shalt  }
0x4d: {  	_ =	shalt  }
0x4e: {  	_ =	shalt  }
0x4f: {  	_ =	shalt  }
0x50: {  	_ =	shalt  }
0x51: {  	_ =	shalt  }
0x52: {  	_ =	shalt  }
0x53: {  	_ =	shalt  }
0x54: {  	_ =	shalt  }
0x55: {  	_ =	shalt  }
0x56: {  	_ =	shalt  }
0x57: {  	_ =	shalt  }
0x58: {  	_ =	shalt  }
0x59: {  	_ =	shalt  }
0x5a: {  	_ =	shalt  }
0x5b: {  	_ =	shalt  }
0x5c: {  	_ =	shalt  }
0x5d: {  	_ =	shalt  }
0x5e: {  	_ =	shalt  }
0x5f: {  	_ =	shalt  }
0x60: {  	_ =	shalt  }
0x61: {  	_ =	shalt  }
0x62: {  	_ =	shalt  }
0x63: {  	_ =	shalt  }
0x64: {  	_ =	shalt  }
0x65: {  	_ =	shalt  }
0x66: {  	_ =	shalt  }
0x67: {  	_ =	shalt  }
0x68: {  	_ =	shalt  }
0x69: {  	_ =	shalt  }
0x6a: {  	_ =	shalt  }
0x6b: {  	_ =	shalt  }
0x6c: {  	_ =	shalt  }
0x6d: {  	_ =	shalt  }
0x6e: {  	_ =	shalt  }
0x6f: {  	_ =	shalt  }
0x70: {  	_ =	shalt  }
0x71: {  	_ =	shalt  }
0x72: {  	_ =	shalt  }
0x73: {  	_ =	shalt  }
0x74: {  	_ =	shalt  }
0x75: {  	_ =	shalt  }
0x76: {  	_ =	shalt  }
0x77: {  	_ =	shalt  }
0x78: {  	_ =	shalt  }
0x79: {  	_ =	shalt  }
0x7a: {  	_ =	shalt  }
0x7b: {  	_ =	shalt  }
0x7c: {  	_ =	shalt  }
0x7d: {  	_ =	shalt  }
0x7e: {  	_ =	shalt  }
0x7f: {  	_ =	shalt  }
0x80: {  	_ =	shalt  }
0x81: {  	_ =	shalt  }
0x82: {  	_ =	shalt  }
0x83: {  	_ =	shalt  }
0x84: {  	_ =	shalt  }
0x85: {  	_ =	shalt  }
0x86: {  	_ =	shalt  }
0x87: {  	_ =	shalt  }
.Lfunc_end0:
.L_simem_size_0:
called_computation_lowered:
.L_overlay_start_0:
0x88: {  	s2 =	sld [smem:$0x3FD9]  }
0x89: {  	s3 =	sld [smem:$0x3FFE];
	_ =	sdelay $0x1  }
0x8a: {  	s1 =	srdreg.scid  }
0x8b: {  	s0 =	sand.u32 $0x1, s1  }
0x8c: {  	s17 =	sshll.u32 s0, $0xA;
	s2 =	sadd.s32 s3, s2  }
0x8d: {  	s2 =	sadd.s32 s2, s17  }
0x8e: {  	[smem:$0x3FC2] =	sst s2  }
0x8f: {  	_ = 	snop  }
0x90: {  	s2 =	sld [smem:$0x3FC6]  }
0x91: {  	s18 =	sld [smem:$0x3FC5]  }
0x92: {  	s4 =	sld [smem:$0x3FD0];
	(tm) =	ssettm $0x1  }
0x93: {  	s5 =	sld [smem:$0x3FFB];
	_ =	sdelay $0x3  }
0x94: {  	_ =	strace s5  }
0x95: {  	s5 =	sld [smem:$0x3FFC];
	_ =	sdelay $0x3  }
0x96: {  	_ =	strace s5  }
0x97: {  	s5 =	sld [smem:$0x3FFD];
	_ =	sdelay $0x3  }
0x98: {  	_ =	strace s5  }
0x99: {  	_ =	strace $0x8FFFFFFF  }
0x9a: {  	s19 =	sld [smem:$0x3FDB];
	_ =	sdelay $0x1  }
0x9b: {  	s6 =	simm.s32 $_scs_section_size  }
0x9c: {  	s7 =	simm.s32 $_size__tile_overlayer_lowered;
	s8 =	simm.s32 $_tile_overlayer_lowered  }
0x9d: {  	s22 =	simm.s32 $0x1BFF;
	s21 =	sshll.u32 s8, $0x1;
	s5 =	sadd.s32 s6, s19  }
0x9e: {  	s9 =	simm.s32 $0x0;
	s20 =	sshll.u32 s7, $0x1;
	s7 =	sadd.s32 s21, s5  }
0x9f: {  	[timem:s9], [sflag:s22] =	dma.local [hbm:s7], s20  }
0xa0: {  	_ =	swait.ge [sflag:s22], s20  }
0xa1: {  	s6 =	ssub.s32 $0x0, s20;
	[sflag:s22] =	ssyncset.done $0x0  }
0xa2: {  	[sflag:s22] =	ssyncadd.s32 s6;
	_ =	sdelay $0x1  }
0xa3: {  	s23 =	simm.s32 $0x1B8B  }
0xa4: {  	_ =	swait.ge [sflag:s23], $0x1  }
0xa5: {  	[sflag:s23] =	ssyncset.done $0x0  }
0xa6: {  	s25 =	simm.s32 $0x1B8E;
	s24 =	sld [smem:$0x3FFE];
	[sflag:s23] =	ssyncadd.s32 $0xFFFFFFFF  }
0xa7: {  	s26 =	simm.s32 $execute0_lowered;
	[smem:$0x3FD2] =	sst s25  }
0xa8: {  	s7 =	sshll.u32 s26, $0x1;
	_ =	strace $0x80000046;
	[dreg:$0x1] =	wrdreg $0xFFFFFFFF  }
0xa9: {  	s28 =	simm.s32 $_size_execute0_lowered;
	s5 =	sadd.s32 s5, s7;
	[dreg:$0x0] =	wrdreg $0x0  }
0xaa: {  	s7 =	sshll.u32 s28, $0x1;
	[dreg:$0x2] =	wrdreg s5  }
0xab: {  	[dreg:$0x3] =	wrdreg s7  }
0xac: {  	[dreg:$0x4] =	wrdreg $0xC0  }
0xad: {  	_ =	task [dreg:s9], $0x5FFFF  }
0xae: {  	[dreg:$0x1] =	wrdreg $0xFFFFFFFF  }
0xaf: {  	[dreg:$0x0] =	wrdreg $0x60  }
0xb0: {  	[dreg:$0x2] =	wrdreg s24  }
0xb1: {  	[dreg:$0x3] =	wrdreg s2  }
0xb2: {  	[dreg:$0x4] =	wrdreg s18  }
0xb3: {  	[dreg:$0x5] =	wrdreg s4  }
0xb4: {  	[dreg:$0x6] =	wrdreg $0x9  }
0xb5: {  	_ =	task.clear_ibuf [dreg:s9], $0x7FFFF;
	_ =	strace $0x90000046  }
0xb6: {  	s29 =	simm.s32 $0x9;
	_ =	strace $0x80000048  }
0xb7: {  	_ =	swait.ge [sflag:s29], $0x1  }
0xb8: {  	[sflag:s29] =	ssyncadd.s32 $0xFFFFFFFF  }
0xb9: {  	_ =	strace $0x90000048  }
0xba: {  	_ =	sfence  }
0xbb: {  	s30 =	sld [smem:$0x0];
	_ =	sdelay $0x2  }
0xbc: {  	s31 =	sshll.u32 s1, $0xD;
	s1 =	sshrl.u32 s1, $0x2  }
0xbd: {  	s3 =	sand.u32 $0x4000, s31;
	s1 =	sadd.s32 s1, s30  }
0xbe: {  	s0 =	sor.u32 s3, s0;
	s1 =	sshll.u32 s1, $0x11  }
0xbf: {  	s0 =	sor.u32 s1, s0  }
0xc0: {  	s0 =	sadd.s32 $0x8F2B, s0  }
0xc1: {  	[sflag:s0] =	ssyncadd.remote.s32 $0x1  }
0xc2: {  	_ =	sfence.sel $0xFFFF  }
0xc3: {  	[dreg:$0x0] =	wrdreg $0xFFFFFFFF;
	(pc) =	sbr.abs _section_cstart, $3  }
0xc4: {  	[dreg:$0x1] =	wrdreg $0xFFFFFFFF  }
0xc5: {  	_ =	task.clear_ibuf [dreg:s9], $0x2FFFF;
	_ =	strace $0x9FFFFFFF  }
0xc6: {  	(tm) =	ssettm $0x7FFFFFFF  }
0xc7: {  	_ =	shalt  }
tec
execute0_lowered:
.L_overlay_start_1:
0x0: {  	(tag) =	ssettag $0x1  }
0x1: {  	s5 =	rddreg [dreg:$0x0]  }
0x2: {  	s0 =	rddreg [dreg:$0x1]  }
0x3: {  	s1 =	rddreg [dreg:$0x2]  }
0x4: {  	s7 =	rddreg [dreg:$0x3]  }
0x5: {  	s2 =	simm.s32 $0x0;
	[dreg:$0x5] =	wrdreg s0  }
0x6: {  	[smem:$0x7FF] =	sst s2  }
0x7: {  	v0 =	vimm.f32 $1.260000000e+02;
	s0 =	rddreg [dreg:$0x4];
	_ =	strace $0x80000047  }
0x8: {  	(erf) = vrcp.f32 v0;
	_ =	sdelay $0x3  }
0x9: {  	s3 =	stileid.u32  }
0xa: {  	p0 =	sgt.u32 s3, $0x7  }
.Ltmp0:
0xb: {  	_ = 	snop;
	(pc) =	sbr.rel @p0 .LBB2_3-.Ltmp0, $3  }
0xc: {  	_ =	sdelay $0x1  }
0xd: {  	v0 =	vpop (erf)  }
0xe: {  	[tilespmem:$0x1FFF0] =	vst v0  }
0xf: {  	s4 =	srdreg.scid;
	v1 =	vlaneseq.u32  }
0x10: {  	s30 =	sshll.u32 s3, $0x1;
	s6 =	sand.u32 $0x1, s4;
	v1 =	vmul.u32 $0x4, v1  }
0x11: {  	s8 =	sor.u32 s6, s30  }
0x12: {  	v0 =	vmov s8;
	v11 =	vor.u32 $0x43, v1;
	v12 =	vor.u32 $0x80, v1  }
0x13: {  	v13 =	vor.u32 $0x81, v1;
	v14 =	vor.u32 $0x82, v1;
	v15 =	vor.u32 $0x83, v1  }
0x14: {  	v16 =	vor.u32 $0xC0, v1;
	v17 =	vor.u32 $0xC1, v1;
	v18 =	vor.u32 $0xC2, v1  }
0x15: {  	v19 =	vor.u32 $0xC3, v1;
	v20 =	vor.u32 $0x100, v1;
	v21 =	vor.u32 $0x101, v1  }
0x16: {  	v22 =	vor.u32 $0x102, v1;
	v23 =	vor.u32 $0x103, v1;
	v24 =	vor.u32 $0x140, v1  }
0x17: {  	v25 =	vor.u32 $0x141, v1;
	v26 =	vor.u32 $0x142, v1;
	v27 =	vor.u32 $0x143, v1  }
0x18: {  	v28 =	vor.u32 $0x180, v1;
	v29 =	vor.u32 $0x181, v1;
	v30 =	vor.u32 $0x182, v1  }
0x19: {  	v31 =	vor.u32 $0x183, v1;
	v32 =	vor.u32 $0x1C0, v1;
	v33 =	vor.u32 $0x1C1, v1  }
0x1a: {  	v34 =	vor.u32 $0x1C2, v1;
	v35 =	vor.u32 $0x1C3, v1;
	v36 =	vor.u32 $0x200, v1  }
0x1b: {  	v37 =	vor.u32 $0x201, v1;
	v38 =	vor.u32 $0x202, v1;
	v39 =	vor.u32 $0x203, v1  }
0x1c: {  	v40 =	vor.u32 $0x240, v1;
	v41 =	vor.u32 $0x241, v1;
	v42 =	vor.u32 $0x242, v1  }
0x1d: {  	v43 =	vor.u32 $0x243, v1;
	v44 =	vor.u32 $0x280, v1;
	v45 =	vor.u32 $0x281, v1  }
0x1e: {  	v46 =	vor.u32 $0x282, v1;
	v47 =	vor.u32 $0x283, v1;
	v48 =	vor.u32 $0x2C0, v1  }
0x1f: {  	v49 =	vor.u32 $0x2C1, v1;
	v50 =	vor.u32 $0x2C2, v1;
	[tilespmem:$0x1FF80] =	vst v0;
	v0 =	vor.u32 $0x1, v1  }
0x20: {  	v51 =	vor.u32 $0x2C3, v1;
	v52 =	vor.u32 $0x300, v1;
	[tilespmem:$0x1FF90] =	vst v0;
	v0 =	vor.u32 $0x2, v1  }
0x21: {  	s12 =	simm.s32 $0x100;
	s13 =	simm.s32 $0x580;
	v53 =	vor.u32 $0x301, v1;
	v54 =	vor.u32 $0x302, v1;
	[tilespmem:$0x1FFA0] =	vst v0;
	v0 =	vor.u32 $0x3, v1  }
0x22: {  	s4 =	sadd.s32 $0xA00, s5;
	s5 =	sadd.s32 $0x800, s5;
	s9 =	ssub.s32 $0x2, s6;
	v55 =	vor.u32 $0x303, v1;
	v56 =	vor.u32 $0x340, v1;
	[tilespmem:$0x1FFB0] =	vst v0;
	v0 =	vor.u32 $0x40, v1  }
0x23: {  	s10 =	sshll.u32 s8, $0x5;
	s11 =	sshrl.u32 s9, $0x1;
	s6 =	sshll.u32 s8, $0xD;
	v57 =	vor.u32 $0x341, v1;
	v58 =	vor.u32 $0x342, v1;
	[tilespmem:$0x1FFC0] =	vst v0;
	v0 =	vor.u32 $0x41, v1  }
0x24: {  	v59 =	vor.u32 $0x343, v1;
	v60 =	vor.u32 $0x380, v1;
	s7 =	sadd.s32 s7, s10;
	s31 =	ssub.s32 s9, s11;
	s9 =	simm.s32 $0x1;
	[tilespmem:$0x1FFD0] =	vst v0;
	v0 =	vor.u32 $0x42, v1  }
0x25: {  	v61 =	vor.u32 $0x381, v1;
	v62 =	vor.u32 $0x382, v1;
	v63 =	vor.u32 $0x383, v1;
	s10 =	simm.s32 $0x80;
	s11 =	simm.s32 $0x180;
	s8 =	smax.u32 s31, $0x1;
	[tilespmem:$0x1FFE0] =	vst v0  }
.LBB2_2:
0x26: {  	s14 =	rddreg [dreg:$0x5]  }
0x27: {  	[tilespmem:s2], [sflag:$0x1] =	stream.linear.gather [hbm4b:s14+s2], $0x80, $0x38;
	[tilespmem:$0x680] =	vst v63  }
0x28: {  	_ =	swait.ge [sflag:s9], $0x80  }
0x29: {  	[sflag:s9] =	ssyncset.done $0x0  }
0x2a: {  	[sflag:s9] =	ssyncadd.s32 $0xFFFFFF80  }
0x2b: {  	[tilespmem:s10], [sflag:$0x1] =	stream.linear.gather [hbm4b:s1+s2], $0x80, $0x38;
	[tilespmem:$0x680] =	vst v63  }
0x2c: {  	_ =	swait.ge [sflag:s9], $0x80  }
0x2d: {  	[sflag:s9] =	ssyncset.done $0x0  }
0x2e: {  	[sflag:s9] =	ssyncadd.s32 $0xFFFFFF80  }
0x2f: {  	[tilespmem:s11], [sflag:$0x1] =	stream.linear.gather [hbm4b:s5+s2], $0x400, $0x38;
	[tilespmem:$0x680] =	vst v63  }
0x30: {  	_ =	swait.ge [sflag:s9], $0x400  }
0x31: {  	v0 =	vld [tilespmem:$0x1FF80];
	_ =	sdelay $0x5  }
0x32: {  	[sflag:s9] =	ssyncset.done $0x0  }
0x33: {  	[sflag:s9] =	ssyncadd.s32 $0xFFFFFC00  }
0x34: {  	v2 =	vld.idx.msk [tilespmem:v0+s2+$0x0], $0xffff;
	_ =	sdelay $0x4  }
0x35: {  	v2 =	vxor.u32 $0x80000000, v2  }
0x36: {  	(xrf0) =	vmax.scan.msk.u32 $0xffff, v2;
	_ =	sdelay $0x5  }
0x37: {  	v2, _, _ =	vpop (xrf0)  }
0x38: {  	(v2sf) =	vpush v2, $0xF;
	_ =	sdelay $0xe  }
0x39: {  	s28 =	spop (v2sf)  }
0x3a: {  	s14 =	sadd.s32 s28, s6  }
0x3b: {  	s15 =	sadd.s32 $0x80000000, s14  }
0x3c: {  	s14 =	smul.u32 $0x5, s15  }
0x3d: {  	p0 =	sne.s32 s15, $0x0;
	s15 =	simm.s32 $0x1  }
0x3e: {  	s15 =	simm.s32 @!p0 $0x0;
	s16 =	sshra.s32 s14, $0x1F  }
0x3f: {  	s17 =	sand.u32 $0x7, s14;
	s15 =	sor.u32 s15, s16  }
0x40: {  	p1 =	sne.s32 s17, $0x0;
	p6 =	sne.s32 s15, $0x1  }
0x41: {  	s29 =	sshrl.u32 s16, $0x1D;
	p0 =	por !p1, !p6  }
0x42: {  	s16 =	simm.s32 $0x1;
	s15 =	sadd.s32 s29, s14;
	p0 =	por !p0, !p0  }
0x43: {  	s15 =	sshrl.u32 s15, $0x3;
	s16 =	simm.s32 @!p0 $0x0  }
0x44: {  	s15 =	ssub.s32 s15, s16  }
0x45: {  	s15 =	sshll.u32 s15, $0x3  }
0x46: {  	p0 =	slt.s32 s15, $0x9FFE0  }
0x47: {  	s15 =	simm.s32 @!p0 $0x9FFE0  }
0x48: {  	s30 =	sshrl.u32 s15, $0x3  }
0x49: {  	v0 =	vimm.s32 $0x2;
	s16 =	sadd.s32 s4, s30  }
0x4a: {  	[tilespmem:s12], [sflag:$0x1] =	stream.linear.gather [hbm4b:s16+s2], $0x20, $0x38;
	[tilespmem:$0x680] =	vst v63  }
0x4b: {  	_ =	swait.ge [sflag:s9], $0x20  }
0x4c: {  	[sflag:s9] =	ssyncset.done $0x0  }
0x4d: {  	[sflag:s9] =	ssyncadd.s32 $0xFFFFFFE0  }
0x4e: {  	v2 =	vld.idx.msk [tilespmem:v0+s10+$0x0], $0xffff;
	v0 =	vimm.s32 $0x3;
	_ =	sdelay $0x4  }
0x4f: {  	v3 =	vld.idx.msk [tilespmem:v0+s10+$0x0], $0xffff;
	_ =	sdelay $0x4  }
0x50: {  	v2 =	vcvt.s32.f32 v2;
	v3 =	vcvt.s32.f32 v3;
	_ =	sdelay $0x1  }
0x51: {  	v5 =	vmul.f32 v2, v2;
	v4 =	vmul.f32 v3, v3;
	_ =	sdelay $0x1  }
0x52: {  	v4 =	vadd.f32 v4, v5;
	_ =	sdelay $0x1  }
0x53: {  	v5 =	vadd.f32 $1.000000000e+00, v4;
	_ =	sdelay $0x1  }
0x54: {  	v5 =	vmul.f32 $5.000000000e-01, v5;
	_ =	sdelay $0x1  }
0x55: {  	(erf) = vrcp.f32 v5;
	_ =	sdelay $0x8  }
0x56: {  	v6 =	vpop (erf)  }
0x57: {  	v6 =	vmul.f32 v6, v4;
	_ =	sdelay $0x1  }
0x58: {  	v5 =	vadd.f32 v6, v5;
	_ =	sdelay $0x1  }
0x59: {  	v5 =	vmul.f32 $5.000000000e-01, v5;
	_ =	sdelay $0x1  }
0x5a: {  	(erf) = vrcp.f32 v5;
	_ =	sdelay $0x8  }
0x5b: {  	v6 =	vpop (erf)  }
0x5c: {  	v6 =	vmul.f32 v6, v4;
	_ =	sdelay $0x1  }
0x5d: {  	v5 =	vadd.f32 v6, v5;
	_ =	sdelay $0x1  }
0x5e: {  	v5 =	vmul.f32 $5.000000000e-01, v5;
	_ =	sdelay $0x1  }
0x5f: {  	(erf) = vrcp.f32 v5;
	_ =	sdelay $0x8  }
0x60: {  	v6 =	vpop (erf)  }
0x61: {  	v6 =	vmul.f32 v6, v4;
	_ =	sdelay $0x1  }
0x62: {  	v5 =	vadd.f32 v6, v5;
	_ =	sdelay $0x1  }
0x63: {  	v5 =	vmul.f32 $5.000000000e-01, v5;
	_ =	sdelay $0x1  }
0x64: {  	(erf) = vrcp.f32 v5;
	_ =	sdelay $0x8  }
0x65: {  	v6 =	vpop (erf)  }
0x66: {  	v6 =	vmul.f32 v6, v4;
	_ =	sdelay $0x1  }
0x67: {  	v5 =	vadd.f32 v6, v5;
	_ =	sdelay $0x1  }
0x68: {  	v5 =	vmul.f32 $5.000000000e-01, v5;
	_ =	sdelay $0x1  }
0x69: {  	(erf) = vrcp.f32 v5;
	_ =	sdelay $0x8  }
0x6a: {  	v6 =	vpop (erf)  }
0x6b: {  	v6 =	vmul.f32 v6, v4;
	_ =	sdelay $0x1  }
0x6c: {  	v5 =	vadd.f32 v6, v5;
	_ =	sdelay $0x1  }
0x6d: {  	v5 =	vmul.f32 $5.000000000e-01, v5;
	_ =	sdelay $0x1  }
0x6e: {  	(erf) = vrcp.f32 v5;
	_ =	sdelay $0x8  }
0x6f: {  	v6 =	vpop (erf)  }
0x70: {  	v6 =	vmul.f32 v6, v4;
	_ =	sdelay $0x1  }
0x71: {  	v5 =	vadd.f32 v6, v5;
	_ =	sdelay $0x1  }
0x72: {  	v5 =	vmul.f32 $5.000000000e-01, v5;
	_ =	sdelay $0x1  }
0x73: {  	(erf) = vrcp.f32 v5;
	_ =	sdelay $0x8  }
0x74: {  	v6 =	vpop (erf)  }
0x75: {  	v6 =	vmul.f32 v6, v4;
	_ =	sdelay $0x1  }
0x76: {  	v5 =	vadd.f32 v6, v5;
	_ =	sdelay $0x1  }
0x77: {  	v5 =	vmul.f32 $5.000000000e-01, v5;
	_ =	sdelay $0x1  }
0x78: {  	(erf) = vrcp.f32 v5;
	_ =	sdelay $0x8  }
0x79: {  	v6 =	vpop (erf)  }
0x7a: {  	v6 =	vmul.f32 v6, v4;
	_ =	sdelay $0x1  }
0x7b: {  	v5 =	vadd.f32 v6, v5;
	_ =	sdelay $0x1  }
0x7c: {  	v5 =	vmul.f32 $5.000000000e-01, v5;
	_ =	sdelay $0x1  }
0x7d: {  	(erf) = vrcp.f32 v5;
	_ =	sdelay $0x8  }
0x7e: {  	v6 =	vpop (erf)  }
0x7f: {  	v6 =	vmul.f32 v6, v4;
	_ =	sdelay $0x1  }
0x80: {  	v5 =	vadd.f32 v6, v5;
	_ =	sdelay $0x1  }
0x81: {  	v5 =	vmul.f32 $5.000000000e-01, v5;
	_ =	sdelay $0x1  }
0x82: {  	(erf) = vrcp.f32 v5;
	_ =	sdelay $0x8  }
0x83: {  	v6 =	vpop (erf)  }
0x84: {  	v6 =	vmul.f32 v6, v4;
	_ =	sdelay $0x1  }
0x85: {  	v5 =	vadd.f32 v6, v5;
	_ =	sdelay $0x1  }
0x86: {  	v5 =	vmul.f32 $5.000000000e-01, v5;
	_ =	sdelay $0x1  }
0x87: {  	(erf) = vrcp.f32 v5;
	_ =	sdelay $0x8  }
0x88: {  	v6 =	vpop (erf)  }
0x89: {  	v6 =	vmul.f32 v6, v4;
	_ =	sdelay $0x1  }
0x8a: {  	v5 =	vadd.f32 v6, v5;
	_ =	sdelay $0x1  }
0x8b: {  	v5 =	vmul.f32 $5.000000000e-01, v5;
	_ =	sdelay $0x1  }
0x8c: {  	(erf) = vrcp.f32 v5;
	_ =	sdelay $0x8  }
0x8d: {  	v6 =	vpop (erf)  }
0x8e: {  	v6 =	vmul.f32 v6, v4;
	_ =	sdelay $0x1  }
0x8f: {  	v5 =	vadd.f32 v6, v5;
	_ =	sdelay $0x1  }
0x90: {  	v5 =	vmul.f32 $5.000000000e-01, v5;
	_ =	sdelay $0x1  }
0x91: {  	(erf) = vrcp.f32 v5;
	_ =	sdelay $0x8  }
0x92: {  	v6 =	vpop (erf)  }
0x93: {  	v6 =	vmul.f32 v6, v4;
	_ =	sdelay $0x1  }
0x94: {  	v5 =	vadd.f32 v6, v5;
	_ =	sdelay $0x1  }
0x95: {  	v5 =	vmul.f32 $5.000000000e-01, v5;
	_ =	sdelay $0x1  }
0x96: {  	(erf) = vrcp.f32 v5;
	_ =	sdelay $0x8  }
0x97: {  	v6 =	vpop (erf)  }
0x98: {  	v6 =	vmul.f32 v6, v4;
	_ =	sdelay $0x1  }
0x99: {  	v5 =	vadd.f32 v6, v5;
	_ =	sdelay $0x1  }
0x9a: {  	v5 =	vmul.f32 $5.000000000e-01, v5;
	_ =	sdelay $0x1  }
0x9b: {  	(erf) = vrcp.f32 v5;
	_ =	sdelay $0x8  }
0x9c: {  	v6 =	vpop (erf)  }
0x9d: {  	v6 =	vmul.f32 v6, v4;
	_ =	sdelay $0x1  }
0x9e: {  	v5 =	vadd.f32 v6, v5;
	_ =	sdelay $0x1  }
0x9f: {  	v5 =	vmul.f32 $5.000000000e-01, v5;
	_ =	sdelay $0x1  }
0xa0: {  	(erf) = vrcp.f32 v5;
	_ =	sdelay $0x8  }
0xa1: {  	v6 =	vpop (erf)  }
0xa2: {  	v6 =	vmul.f32 v6, v4;
	_ =	sdelay $0x1  }
0xa3: {  	v5 =	vadd.f32 v6, v5;
	_ =	sdelay $0x1  }
0xa4: {  	v5 =	vmul.f32 $5.000000000e-01, v5;
	_ =	sdelay $0x1  }
0xa5: {  	(erf) = vrcp.f32 v5;
	_ =	sdelay $0x8  }
0xa6: {  	v6 =	vpop (erf)  }
0xa7: {  	v6 =	vmul.f32 v6, v4;
	_ =	sdelay $0x1  }
0xa8: {  	v5 =	vadd.f32 v6, v5;
	_ =	sdelay $0x1  }
0xa9: {  	v5 =	vmul.f32 $5.000000000e-01, v5;
	_ =	sdelay $0x1  }
0xaa: {  	(erf) = vrcp.f32 v5;
	_ =	sdelay $0x8  }
0xab: {  	v6 =	vpop (erf)  }
0xac: {  	v6 =	vmul.f32 v6, v4;
	_ =	sdelay $0x1  }
0xad: {  	v5 =	vadd.f32 v6, v5;
	_ =	sdelay $0x1  }
0xae: {  	v5 =	vmul.f32 $5.000000000e-01, v5;
	_ =	sdelay $0x1  }
0xaf: {  	(erf) = vrcp.f32 v5;
	_ =	sdelay $0x8  }
0xb0: {  	v6 =	vpop (erf)  }
0xb1: {  	v6 =	vmul.f32 v6, v4;
	_ =	sdelay $0x1  }
0xb2: {  	v5 =	vadd.f32 v6, v5;
	_ =	sdelay $0x1  }
0xb3: {  	v5 =	vmul.f32 $5.000000000e-01, v5;
	_ =	sdelay $0x1  }
0xb4: {  	(erf) = vrcp.f32 v5;
	_ =	sdelay $0x8  }
0xb5: {  	v6 =	vpop (erf)  }
0xb6: {  	v6 =	vmul.f32 v6, v4;
	_ =	sdelay $0x1  }
0xb7: {  	v5 =	vadd.f32 v6, v5;
	_ =	sdelay $0x1  }
0xb8: {  	v5 =	vmul.f32 $5.000000000e-01, v5;
	_ =	sdelay $0x1  }
0xb9: {  	(erf) = vrcp.f32 v5;
	_ =	sdelay $0x8  }
0xba: {  	v6 =	vpop (erf)  }
0xbb: {  	v6 =	vmul.f32 v6, v4;
	_ =	sdelay $0x1  }
0xbc: {  	v5 =	vadd.f32 v6, v5;
	_ =	sdelay $0x1  }
0xbd: {  	v5 =	vmul.f32 $5.000000000e-01, v5;
	_ =	sdelay $0x1  }
0xbe: {  	(erf) = vrcp.f32 v5;
	_ =	sdelay $0x8  }
0xbf: {  	v6 =	vpop (erf)  }
0xc0: {  	v6 =	vmul.f32 v6, v4;
	_ =	sdelay $0x1  }
0xc1: {  	v5 =	vadd.f32 v6, v5;
	_ =	sdelay $0x1  }
0xc2: {  	v5 =	vmul.f32 $5.000000000e-01, v5;
	_ =	sdelay $0x1  }
0xc3: {  	(erf) = vrcp.f32 v5;
	_ =	sdelay $0x8  }
0xc4: {  	v6 =	vpop (erf)  }
0xc5: {  	v6 =	vmul.f32 v6, v4;
	_ =	sdelay $0x1  }
0xc6: {  	v5 =	vadd.f32 v6, v5;
	_ =	sdelay $0x1  }
0xc7: {  	v5 =	vmul.f32 $5.000000000e-01, v5;
	_ =	sdelay $0x1  }
0xc8: {  	(erf) = vrcp.f32 v5;
	_ =	sdelay $0x8  }
0xc9: {  	v6 =	vpop (erf)  }
0xca: {  	v6 =	vmul.f32 v6, v4;
	_ =	sdelay $0x1  }
0xcb: {  	v5 =	vadd.f32 v6, v5;
	_ =	sdelay $0x1  }
0xcc: {  	v5 =	vmul.f32 $5.000000000e-01, v5;
	_ =	sdelay $0x1  }
0xcd: {  	(erf) = vrcp.f32 v5;
	_ =	sdelay $0x8  }
0xce: {  	v6 =	vpop (erf)  }
0xcf: {  	v6 =	vmul.f32 v6, v4;
	_ =	sdelay $0x1  }
0xd0: {  	v5 =	vadd.f32 v6, v5;
	_ =	sdelay $0x1  }
0xd1: {  	v5 =	vmul.f32 $5.000000000e-01, v5;
	_ =	sdelay $0x1  }
0xd2: {  	(erf) = vrcp.f32 v5;
	_ =	sdelay $0x8  }
0xd3: {  	v6 =	vpop (erf)  }
0xd4: {  	v6 =	vmul.f32 v6, v4;
	_ =	sdelay $0x1  }
0xd5: {  	v5 =	vadd.f32 v6, v5;
	_ =	sdelay $0x1  }
0xd6: {  	v5 =	vmul.f32 $5.000000000e-01, v5;
	_ =	sdelay $0x1  }
0xd7: {  	(erf) = vrcp.f32 v5;
	_ =	sdelay $0x8  }
0xd8: {  	v6 =	vpop (erf)  }
0xd9: {  	v6 =	vmul.f32 v6, v4;
	_ =	sdelay $0x1  }
0xda: {  	v5 =	vadd.f32 v6, v5;
	_ =	sdelay $0x1  }
0xdb: {  	v5 =	vmul.f32 $5.000000000e-01, v5;
	_ =	sdelay $0x1  }
0xdc: {  	(erf) = vrcp.f32 v5;
	_ =	sdelay $0x8  }
0xdd: {  	v6 =	vpop (erf)  }
0xde: {  	v6 =	vmul.f32 v6, v4;
	_ =	sdelay $0x1  }
0xdf: {  	v5 =	vadd.f32 v6, v5;
	_ =	sdelay $0x1  }
0xe0: {  	v5 =	vmul.f32 $5.000000000e-01, v5;
	_ =	sdelay $0x1  }
0xe1: {  	(erf) = vrcp.f32 v5;
	_ =	sdelay $0x8  }
0xe2: {  	v6 =	vpop (erf)  }
0xe3: {  	v6 =	vmul.f32 v6, v4;
	_ =	sdelay $0x1  }
0xe4: {  	v5 =	vadd.f32 v6, v5;
	_ =	sdelay $0x1  }
0xe5: {  	v5 =	vmul.f32 $5.000000000e-01, v5;
	_ =	sdelay $0x1  }
0xe6: {  	(erf) = vrcp.f32 v5;
	_ =	sdelay $0x8  }
0xe7: {  	s14 =	ssub.s32 s14, s15;
	v6 =	vpop (erf)  }
0xe8: {  	s15 =	sadd.s32 $0x1, s14;
	v4 =	vmul.f32 v6, v4  }
0xe9: {  	v8 =	vmov s15  }
0xea: {  	v4 =	vadd.f32 v4, v5;
	_ =	sdelay $0x1  }
0xeb: {  	v4 =	vmul.f32 $5.000000000e-01, v4;
	_ =	sdelay $0x1  }
0xec: {  	v0 =	vmul.f32 $6.999999880e-01, v4;
	v4 =	vld.idx.msk [tilespmem:v8+s12+$0x0], $0xffff  }
0xed: {  	v7 =	vmax.f32 v3, v2  }
0xee: {  	v7 =	vmul.f32 $6.999999880e-01, v7  }
0xef: {  	v2 =	vmul.f32 $5.000000000e-01, v2  }
0xf0: {  	(erf) = vrcp.f32 v7  }
0xf1: {  	v6 =	vmov s14;
	v2 =	vsub.f32 v4, v2;
	v4 =	vld [tilespmem:$0x1FFA0]  }
0xf2: {  	s31 =	sadd.s32 $0x4, s14  }
0xf3: {  	v5 =	vmov s31;
	_ =	sdelay $0x2  }
0xf4: {  	v6 =	vld.idx.msk [tilespmem:v6+s12+$0x0], $0xffff;
	_ =	sdelay $0x1  }
0xf5: {  	v5 =	vld.idx.msk [tilespmem:v5+s12+$0x0], $0xffff  }
0xf6: {  	v3 =	vmul.f32 $5.000000000e-01, v3;
	v9 =	vpop (erf);
	v10 =	vld.idx.msk [tilespmem:v4+s11+$0x0], $0xffff  }
0xf7: {  	v4 =	vmul.f32 v9, v2;
	v2 =	vld [tilespmem:$0x1FFF0]  }
0xf8: {  	s14 =	sadd.s32 $0x3, s14;
	v3 =	vsub.f32 v6, v3;
	v6 =	vld [tilespmem:$0x1FF90]  }
0xf9: {  	v7 =	vmov s14  }
0xfa: {  	v5 =	vadd.f32 $-4.500000000e+01, v5;
	_ =	sdelay $0x1  }
0xfb: {  	v2 =	vmul.f32 v5, v2;
	v5 =	vld [tilespmem:$0x1FFB0]  }
0xfc: {  	(erf) = vrcp.f32 v0  }
0xfd: {  	v7 =	vld.idx.msk [tilespmem:v7+s12+$0x0], $0xffff  }
0xfe: {  	v8 =	vld.idx.msk [tilespmem:v1+s11+$0x0], $0xffff  }
0xff: {  	v6 =	vld.idx.msk [tilespmem:v6+s11+$0x0], $0xffff;
	_ =	sdelay $0x2  }
0x100: {  	v0 =	vmul.f32 $5.000000000e-01, v0;
	v3 =	vmul.f32 v9, v3  }
0x101: {  	v9 =	vld.idx.msk [tilespmem:v5+s11+$0x0], $0xffff  }
0x102: {  	v0 =	vsub.f32 v7, v0;
	v7 =	vmul.f32 v3, v8;
	v6 =	vmul.f32 v4, v6  }
0x103: {  	v5 =	vpop (erf)  }
0x104: {  	v5 =	vmul.f32 v0, v5;
	v0 =	vadd.f32 v6, v7;
	v6 =	vmul.f32 v10, v2;
	_ =	sdelay $0x1  }
0x105: {  	v0 =	vadd.f32 v0, v6;
	v6 =	vmul.f32 v5, v9;
	_ =	sdelay $0x1  }
0x106: {  	v0 =	vadd.f32 v6, v0  }
0x107: {  	v6 =	vld [tilespmem:$0x1FFD0]  }
0x108: {  	[tilespmem:$0x580] =	vst v0;
	v0 =	vld [tilespmem:$0x1FFC0];
	_ =	sdelay $0x1  }
0x109: {  	v7 =	vld [tilespmem:$0x1FFE0];
	_ =	sdelay $0x4  }
0x10a: {  	v6 =	vld.idx.msk [tilespmem:v6+s11+$0x0], $0xffff  }
0x10b: {  	v0 =	vld.idx.msk [tilespmem:v0+s11+$0x0], $0xffff;
	_ =	sdelay $0x1  }
0x10c: {  	v7 =	vld.idx.msk [tilespmem:v7+s11+$0x0], $0xffff;
	_ =	sdelay $0x1  }
0x10d: {  	v8 =	vld.idx.msk [tilespmem:v11+s11+$0x0], $0xffff  }
0x10e: {  	v6 =	vmul.f32 v6, v4;
	v0 =	vmul.f32 v0, v3;
	_ =	sdelay $0x1  }
0x10f: {  	v0 =	vadd.f32 v6, v0;
	v6 =	vmul.f32 v7, v2;
	_ =	sdelay $0x1  }
0x110: {  	v0 =	vadd.f32 v6, v0;
	v6 =	vmul.f32 v5, v8;
	_ =	sdelay $0x1  }
0x111: {  	v0 =	vadd.f32 v6, v0;
	_ =	sdelay $0x1  }
0x112: {  	[tilespmem:$0x590] =	vst v0  }
0x113: {  	v0 =	vld.idx.msk [tilespmem:v12+s11+$0x0], $0xffff  }
0x114: {  	v6 =	vld.idx.msk [tilespmem:v13+s11+$0x0], $0xffff;
	_ =	sdelay $0x1  }
0x115: {  	v7 =	vld.idx.msk [tilespmem:v14+s11+$0x0], $0xffff;
	_ =	sdelay $0x1  }
0x116: {  	v8 =	vld.idx.msk [tilespmem:v15+s11+$0x0], $0xffff  }
0x117: {  	v0 =	vmul.f32 v0, v3;
	v6 =	vmul.f32 v6, v4;
	_ =	sdelay $0x1  }
0x118: {  	v0 =	vadd.f32 v6, v0;
	v6 =	vmul.f32 v7, v2;
	_ =	sdelay $0x1  }
0x119: {  	v0 =	vadd.f32 v6, v0;
	v6 =	vmul.f32 v5, v8;
	_ =	sdelay $0x1  }
0x11a: {  	v0 =	vadd.f32 v6, v0;
	_ =	sdelay $0x1  }
0x11b: {  	[tilespmem:$0x5A0] =	vst v0  }
0x11c: {  	v0 =	vld.idx.msk [tilespmem:v16+s11+$0x0], $0xffff  }
0x11d: {  	v6 =	vld.idx.msk [tilespmem:v17+s11+$0x0], $0xffff;
	_ =	sdelay $0x1  }
0x11e: {  	v7 =	vld.idx.msk [tilespmem:v18+s11+$0x0], $0xffff;
	_ =	sdelay $0x1  }
0x11f: {  	v8 =	vld.idx.msk [tilespmem:v19+s11+$0x0], $0xffff  }
0x120: {  	v0 =	vmul.f32 v0, v3;
	v6 =	vmul.f32 v6, v4;
	_ =	sdelay $0x1  }
0x121: {  	v0 =	vadd.f32 v6, v0;
	v6 =	vmul.f32 v7, v2;
	_ =	sdelay $0x1  }
0x122: {  	v0 =	vadd.f32 v6, v0;
	v6 =	vmul.f32 v5, v8;
	_ =	sdelay $0x1  }
0x123: {  	v0 =	vadd.f32 v6, v0;
	_ =	sdelay $0x1  }
0x124: {  	[tilespmem:$0x5B0] =	vst v0  }
0x125: {  	v0 =	vld.idx.msk [tilespmem:v20+s11+$0x0], $0xffff  }
0x126: {  	v6 =	vld.idx.msk [tilespmem:v21+s11+$0x0], $0xffff;
	_ =	sdelay $0x1  }
0x127: {  	v7 =	vld.idx.msk [tilespmem:v22+s11+$0x0], $0xffff;
	_ =	sdelay $0x1  }
0x128: {  	v8 =	vld.idx.msk [tilespmem:v23+s11+$0x0], $0xffff  }
0x129: {  	v0 =	vmul.f32 v0, v3;
	v6 =	vmul.f32 v6, v4;
	_ =	sdelay $0x1  }
0x12a: {  	v0 =	vadd.f32 v6, v0;
	v6 =	vmul.f32 v7, v2;
	_ =	sdelay $0x1  }
0x12b: {  	v0 =	vadd.f32 v6, v0;
	v6 =	vmul.f32 v5, v8;
	_ =	sdelay $0x1  }
0x12c: {  	v0 =	vadd.f32 v6, v0;
	_ =	sdelay $0x1  }
0x12d: {  	[tilespmem:$0x5C0] =	vst v0  }
0x12e: {  	v0 =	vld.idx.msk [tilespmem:v24+s11+$0x0], $0xffff  }
0x12f: {  	v6 =	vld.idx.msk [tilespmem:v25+s11+$0x0], $0xffff;
	_ =	sdelay $0x1  }
0x130: {  	v7 =	vld.idx.msk [tilespmem:v26+s11+$0x0], $0xffff;
	_ =	sdelay $0x1  }
0x131: {  	v8 =	vld.idx.msk [tilespmem:v27+s11+$0x0], $0xffff  }
0x132: {  	v0 =	vmul.f32 v0, v3;
	v6 =	vmul.f32 v6, v4;
	_ =	sdelay $0x1  }
0x133: {  	v0 =	vadd.f32 v6, v0;
	v6 =	vmul.f32 v7, v2;
	_ =	sdelay $0x1  }
0x134: {  	v0 =	vadd.f32 v6, v0;
	v6 =	vmul.f32 v5, v8;
	_ =	sdelay $0x1  }
0x135: {  	v0 =	vadd.f32 v6, v0;
	_ =	sdelay $0x1  }
0x136: {  	[tilespmem:$0x5D0] =	vst v0  }
0x137: {  	v0 =	vld.idx.msk [tilespmem:v28+s11+$0x0], $0xffff  }
0x138: {  	v6 =	vld.idx.msk [tilespmem:v29+s11+$0x0], $0xffff;
	_ =	sdelay $0x1  }
0x139: {  	v7 =	vld.idx.msk [tilespmem:v30+s11+$0x0], $0xffff;
	_ =	sdelay $0x1  }
0x13a: {  	v8 =	vld.idx.msk [tilespmem:v31+s11+$0x0], $0xffff  }
0x13b: {  	v0 =	vmul.f32 v0, v3;
	v6 =	vmul.f32 v6, v4;
	_ =	sdelay $0x1  }
0x13c: {  	v0 =	vadd.f32 v6, v0;
	v6 =	vmul.f32 v7, v2;
	_ =	sdelay $0x1  }
0x13d: {  	v0 =	vadd.f32 v6, v0;
	v6 =	vmul.f32 v5, v8;
	_ =	sdelay $0x1  }
0x13e: {  	v0 =	vadd.f32 v6, v0;
	_ =	sdelay $0x1  }
0x13f: {  	[tilespmem:$0x5E0] =	vst v0  }
0x140: {  	v0 =	vld.idx.msk [tilespmem:v32+s11+$0x0], $0xffff  }
0x141: {  	v6 =	vld.idx.msk [tilespmem:v33+s11+$0x0], $0xffff;
	_ =	sdelay $0x1  }
0x142: {  	v7 =	vld.idx.msk [tilespmem:v34+s11+$0x0], $0xffff;
	_ =	sdelay $0x1  }
0x143: {  	v8 =	vld.idx.msk [tilespmem:v35+s11+$0x0], $0xffff  }
0x144: {  	v0 =	vmul.f32 v0, v3;
	v6 =	vmul.f32 v6, v4;
	_ =	sdelay $0x1  }
0x145: {  	v0 =	vadd.f32 v6, v0;
	v6 =	vmul.f32 v7, v2;
	_ =	sdelay $0x1  }
0x146: {  	v0 =	vadd.f32 v6, v0;
	v6 =	vmul.f32 v5, v8;
	_ =	sdelay $0x1  }
0x147: {  	v0 =	vadd.f32 v6, v0;
	_ =	sdelay $0x1  }
0x148: {  	[tilespmem:$0x5F0] =	vst v0  }
0x149: {  	v0 =	vld.idx.msk [tilespmem:v36+s11+$0x0], $0xffff  }
0x14a: {  	v6 =	vld.idx.msk [tilespmem:v37+s11+$0x0], $0xffff;
	_ =	sdelay $0x1  }
0x14b: {  	v7 =	vld.idx.msk [tilespmem:v38+s11+$0x0], $0xffff;
	_ =	sdelay $0x1  }
0x14c: {  	v8 =	vld.idx.msk [tilespmem:v39+s11+$0x0], $0xffff  }
0x14d: {  	v0 =	vmul.f32 v0, v3;
	v6 =	vmul.f32 v6, v4;
	_ =	sdelay $0x1  }
0x14e: {  	v0 =	vadd.f32 v6, v0;
	v6 =	vmul.f32 v7, v2;
	_ =	sdelay $0x1  }
0x14f: {  	v0 =	vadd.f32 v6, v0;
	v6 =	vmul.f32 v5, v8;
	_ =	sdelay $0x1  }
0x150: {  	v0 =	vadd.f32 v6, v0;
	_ =	sdelay $0x1  }
0x151: {  	[tilespmem:$0x600] =	vst v0  }
0x152: {  	v0 =	vld.idx.msk [tilespmem:v40+s11+$0x0], $0xffff  }
0x153: {  	v6 =	vld.idx.msk [tilespmem:v41+s11+$0x0], $0xffff;
	_ =	sdelay $0x1  }
0x154: {  	v7 =	vld.idx.msk [tilespmem:v42+s11+$0x0], $0xffff;
	_ =	sdelay $0x1  }
0x155: {  	v8 =	vld.idx.msk [tilespmem:v43+s11+$0x0], $0xffff  }
0x156: {  	v0 =	vmul.f32 v0, v3;
	v6 =	vmul.f32 v6, v4;
	_ =	sdelay $0x1  }
0x157: {  	v0 =	vadd.f32 v6, v0;
	v6 =	vmul.f32 v7, v2;
	_ =	sdelay $0x1  }
0x158: {  	v0 =	vadd.f32 v6, v0;
	v6 =	vmul.f32 v5, v8;
	_ =	sdelay $0x1  }
0x159: {  	v0 =	vadd.f32 v6, v0;
	_ =	sdelay $0x1  }
0x15a: {  	[tilespmem:$0x610] =	vst v0  }
0x15b: {  	v0 =	vld.idx.msk [tilespmem:v44+s11+$0x0], $0xffff  }
0x15c: {  	v6 =	vld.idx.msk [tilespmem:v45+s11+$0x0], $0xffff;
	_ =	sdelay $0x1  }
0x15d: {  	v7 =	vld.idx.msk [tilespmem:v46+s11+$0x0], $0xffff;
	_ =	sdelay $0x1  }
0x15e: {  	v8 =	vld.idx.msk [tilespmem:v47+s11+$0x0], $0xffff  }
0x15f: {  	v0 =	vmul.f32 v0, v3;
	v6 =	vmul.f32 v6, v4;
	_ =	sdelay $0x1  }
0x160: {  	v0 =	vadd.f32 v6, v0;
	v6 =	vmul.f32 v7, v2;
	_ =	sdelay $0x1  }
0x161: {  	v0 =	vadd.f32 v6, v0;
	v6 =	vmul.f32 v5, v8;
	_ =	sdelay $0x1  }
0x162: {  	v0 =	vadd.f32 v6, v0;
	_ =	sdelay $0x1  }
0x163: {  	[tilespmem:$0x620] =	vst v0  }
0x164: {  	v0 =	vld.idx.msk [tilespmem:v48+s11+$0x0], $0xffff  }
0x165: {  	v6 =	vld.idx.msk [tilespmem:v49+s11+$0x0], $0xffff;
	_ =	sdelay $0x1  }
0x166: {  	v7 =	vld.idx.msk [tilespmem:v50+s11+$0x0], $0xffff;
	_ =	sdelay $0x1  }
0x167: {  	v8 =	vld.idx.msk [tilespmem:v51+s11+$0x0], $0xffff  }
0x168: {  	v0 =	vmul.f32 v0, v3;
	v6 =	vmul.f32 v6, v4;
	_ =	sdelay $0x1  }
0x169: {  	v0 =	vadd.f32 v6, v0;
	v6 =	vmul.f32 v7, v2;
	_ =	sdelay $0x1  }
0x16a: {  	v0 =	vadd.f32 v6, v0;
	v6 =	vmul.f32 v5, v8;
	_ =	sdelay $0x1  }
0x16b: {  	v0 =	vadd.f32 v6, v0;
	_ =	sdelay $0x1  }
0x16c: {  	[tilespmem:$0x630] =	vst v0  }
0x16d: {  	v0 =	vld.idx.msk [tilespmem:v52+s11+$0x0], $0xffff  }
0x16e: {  	v6 =	vld.idx.msk [tilespmem:v53+s11+$0x0], $0xffff;
	_ =	sdelay $0x1  }
0x16f: {  	v7 =	vld.idx.msk [tilespmem:v54+s11+$0x0], $0xffff;
	_ =	sdelay $0x1  }
0x170: {  	v8 =	vld.idx.msk [tilespmem:v55+s11+$0x0], $0xffff  }
0x171: {  	v0 =	vmul.f32 v0, v3;
	v6 =	vmul.f32 v6, v4;
	_ =	sdelay $0x1  }
0x172: {  	v0 =	vadd.f32 v6, v0;
	v6 =	vmul.f32 v7, v2;
	_ =	sdelay $0x1  }
0x173: {  	v0 =	vadd.f32 v6, v0;
	v6 =	vmul.f32 v5, v8;
	_ =	sdelay $0x1  }
0x174: {  	v0 =	vadd.f32 v6, v0;
	_ =	sdelay $0x1  }
0x175: {  	[tilespmem:$0x640] =	vst v0  }
0x176: {  	v0 =	vld.idx.msk [tilespmem:v56+s11+$0x0], $0xffff  }
0x177: {  	v6 =	vld.idx.msk [tilespmem:v57+s11+$0x0], $0xffff;
	_ =	sdelay $0x1  }
0x178: {  	v7 =	vld.idx.msk [tilespmem:v58+s11+$0x0], $0xffff;
	_ =	sdelay $0x1  }
0x179: {  	v8 =	vld.idx.msk [tilespmem:v59+s11+$0x0], $0xffff  }
0x17a: {  	v0 =	vmul.f32 v0, v3;
	v6 =	vmul.f32 v6, v4;
	_ =	sdelay $0x1  }
0x17b: {  	v0 =	vadd.f32 v6, v0;
	v6 =	vmul.f32 v7, v2;
	_ =	sdelay $0x1  }
0x17c: {  	v0 =	vadd.f32 v6, v0;
	v6 =	vmul.f32 v5, v8;
	_ =	sdelay $0x1  }
0x17d: {  	v0 =	vadd.f32 v6, v0;
	_ =	sdelay $0x1  }
0x17e: {  	[tilespmem:$0x650] =	vst v0  }
0x17f: {  	v0 =	vld.idx.msk [tilespmem:v60+s11+$0x0], $0xffff  }
0x180: {  	v6 =	vld.idx.msk [tilespmem:v61+s11+$0x0], $0xffff;
	_ =	sdelay $0x1  }
0x181: {  	v7 =	vld.idx.msk [tilespmem:v62+s11+$0x0], $0xffff;
	_ =	sdelay $0x1  }
0x182: {  	v8 =	vld.idx.msk [tilespmem:v63+s11+$0x0], $0xffff  }
0x183: {  	v0 =	vmul.f32 v0, v3;
	v6 =	vmul.f32 v6, v4;
	_ =	sdelay $0x1  }
0x184: {  	v0 =	vadd.f32 v6, v0;
	v6 =	vmul.f32 v7, v2;
	_ =	sdelay $0x1  }
0x185: {  	v7 =	vor.u32 $0x3C0, v1;
	v0 =	vadd.f32 v6, v0;
	v6 =	vmul.f32 v5, v8  }
0x186: {  	v8 =	vor.u32 $0x3C1, v1  }
0x187: {  	v0 =	vadd.f32 v6, v0  }
0x188: {  	v6 =	vor.u32 $0x3C2, v1  }
0x189: {  	[tilespmem:$0x660] =	vst v0  }
0x18a: {  	v0 =	vld.idx.msk [tilespmem:v7+s11+$0x0], $0xffff;
	v7 =	vor.u32 $0x3C3, v1  }
0x18b: {  	v8 =	vld.idx.msk [tilespmem:v8+s11+$0x0], $0xffff;
	_ =	sdelay $0x1  }
0x18c: {  	v6 =	vld.idx.msk [tilespmem:v6+s11+$0x0], $0xffff;
	_ =	sdelay $0x1  }
0x18d: {  	v7 =	vld.idx.msk [tilespmem:v7+s11+$0x0], $0xffff  }
0x18e: {  	v0 =	vmul.f32 v0, v3;
	v3 =	vmul.f32 v8, v4;
	_ =	sdelay $0x1  }
0x18f: {  	v0 =	vadd.f32 v3, v0;
	v2 =	vmul.f32 v6, v2;
	_ =	sdelay $0x1  }
0x190: {  	v0 =	vadd.f32 v2, v0;
	v2 =	vmul.f32 v5, v7;
	_ =	sdelay $0x1  }
0x191: {  	v0 =	vadd.f32 v2, v0  }
0x192: {  	p0 =	sne.s32 s8, $0x1  }
.Ltmp1:
0x193: {  	[tilespmem:$0x670] =	vst v0;
	(pc) =	sbr.rel @p0 .LBB2_2-.Ltmp1, $4  }
0x194: {  	[hbm4b:s7+s2] =	stream.linear.scatter [tilespmem:s13], [sflag:$0x1], $0x100, $0x38;
	[tilespmem:$0x680] =	vst v63  }
0x195: {  	_ =	swait.ge [sflag:s9], $0x100  }
0x196: {  	[sflag:s9] =	ssyncset.done $0x0  }
0x197: {  	s8 =	sadd.s32 $0xFFFFFFFF, s8;
	[sflag:s9] =	ssyncadd.s32 $0xFFFFFF00  }
.LBB2_3:
0x198: {  	_ =	sfence.sel $0x180000  }
0x199: {  	[bflag:$0x0] =	sbarrier.arrive $0xFFFF  }
0x19a: {  	p0 =	sne.s32 s3, $0x0;
	_ =	strace $0x90000047  }
0x19b: {  	s0 =	sadd.s32 @!p0 $0x100000, s0;
	[bflag:$0x2] =	sbarrier.arrive $0xFFFF  }
0x19c: {  	[sflag:s0] =	ssyncadd.tile.s32 @!p0 $0x1;
	_ =	shalt  }
.Lfunc_end2:
_tile_overlayer_lowered:
.L_overlay_start_2:
0x19d: {  	(tag) =	ssettag $0x2  }
0x19e: {  	s0 =	rddreg [dreg:$0x0];
	s2 =	stileid.u32  }
0x19f: {  	s1 =	rddreg [dreg:$0x1];
	p0 =	sne.s32 s2, $0x0  }
0x1a0: {  	s3 =	rddreg [dreg:$0x2];
	[bflag:$0x3] =	sbarrier.arrive $0xFFFF;
	s2 =	simm.s32 @!p0 $0x1C01  }
0x1a1: {  	[timem:s3], [sflag:s2] =	dma.local @!p0 [hbm:s0], s1  }
0x1a2: {  	s0 =	simm.s32 @!p0 $0x1  }
0x1a3: {  	_ =	swait.ge @!p0 [sflag:s0], s1  }
0x1a4: {  	s1 =	ssub.s32 @!p0 $0x0, s1;
	[sflag:s0] =	ssyncset.done @!p0 $0x0  }
0x1a5: {  	[sflag:s0] =	ssyncadd.s32 @!p0 s1  }
0x1a6: {  	[bflag:$0x3] =	sbarrier.arrive $0xFFFF  }
0x1a7: {  	_ =	shalt  }

</sc_bundles>
